<compile_context>
chip_gen: v7x
topology: tpu7x:2x2x1
jax: 0.10.2.dev20260603
libtpu: 0.0.44.dev20260713+nightly
codegen_flags: <defaults>
</compile_context>

<pallas_src>
import functools

import jax
import jax.numpy as jnp
from jax import lax
from jax.experimental import pallas as pl
from jax.experimental.pallas import tpu as pltpu
from jax.experimental.pallas import tpu_sc as plsc

N = 10000
E = 160000
D = 256
H = 128
NC = 2
NS = 16
ROWS_PER_TILE = N // NS
EW = 80
ER = E // EW
ERT = ER // NS
EPT = ERT * EW
DW = 125
DR = E // DW
DRT = DR // (NC * NS)
DEGW = 128

_f32 = jnp.float32
_i32 = jnp.int32


def _mesh():
    return plsc.VectorSubcoreMesh(
        core_axis_name="c", subcore_axis_name="s",
        num_cores=NC, num_subcores=NS)


def _deg_body(dst_hbm, ones_hbm, zeros_hbm, out_hbm, ones_v, idx_v, acc_sp):
    c = lax.axis_index("c")
    s = lax.axis_index("s")
    pltpu.sync_copy(ones_hbm, ones_v)
    pltpu.sync_copy(dst_hbm.at[c * NS + s], idx_v)
    pltpu.sync_copy(zeros_hbm, acc_sp.at[pl.ds(s * ROWS_PER_TILE, ROWS_PER_TILE)])
    plsc.subcore_barrier()

    def body(j, carry):
        pltpu.sync_copy(ones_v, acc_sp.at[idx_v.at[j]], add=True)
        return carry

    lax.fori_loop(0, DRT, body, 0)
    plsc.subcore_barrier()
    pltpu.sync_copy(
        acc_sp.at[pl.ds(s * ROWS_PER_TILE, ROWS_PER_TILE)],
        out_hbm.at[c, s],
    )


def _edge_body(yl_hbm, yr_hbm, src_hbm, dst_hbm, zeros_hbm,
               outl_hbm, outr_hbm, sidx, didx, rows0, rows1, acc_sp,
               sg0, sg1, ss0, ss1):
    c = lax.axis_index("c")
    s = lax.axis_index("s")
    pltpu.sync_copy(src_hbm.at[s], sidx)
    pltpu.sync_copy(dst_hbm.at[s], didx)

    def work(y_hbm, out_hbm):
        pltpu.sync_copy(
            zeros_hbm, acc_sp.at[pl.ds(s * ROWS_PER_TILE, ROWS_PER_TILE)])
        plsc.subcore_barrier()

        def gather(j, buf, sem):
            pltpu.async_copy(y_hbm.at[sidx.at[pl.ds(j * EW, EW)]], buf, sem)

        def gwait(j, buf, sem):
            pltpu.make_async_copy(
                y_hbm.at[sidx.at[pl.ds(j * EW, EW)]], buf, sem).wait()

        def scatter(j, buf, sem):
            pltpu.async_copy(buf, acc_sp.at[didx.at[j]], sem, add=True)

        def swait(j, buf, sem):
            pltpu.make_async_copy(buf, acc_sp.at[didx.at[j]], sem).wait()

        gather(0, rows0, sg0)
        gwait(0, rows0, sg0)
        gather(1, rows1, sg1)
        scatter(0, rows0, ss0)

        def body(i, carry):
            j = 2 * i + 1
            gwait(j, rows1, sg1)
            scatter(j, rows1, ss1)
            swait(j - 1, rows0, ss0)
            gather(j + 1, rows0, sg0)
            gwait(j + 1, rows0, sg0)
            scatter(j + 1, rows0, ss0)
            swait(j, rows1, ss1)
            gather(j + 2, rows1, sg1)
            return carry

        lax.fori_loop(0, (ERT - 1) // 2, body, 0)
        swait(ERT - 1, rows0, ss0)
        gwait(ERT, rows1, sg1)

        plsc.subcore_barrier()
        pltpu.sync_copy(
            acc_sp.at[pl.ds(s * ROWS_PER_TILE, ROWS_PER_TILE)],
            out_hbm.at[s],
        )

    pl.when(c == 0)(lambda: work(yl_hbm, outl_hbm))
    pl.when(c == 1)(lambda: work(yr_hbm, outr_hbm))


_SC_KERNELS = None


def _sc_kernels():
    global _SC_KERNELS
    if _SC_KERNELS is None:
        deg_pass = pl.kernel(
            _deg_body,
            out_type=jax.ShapeDtypeStruct((NC, NS, ROWS_PER_TILE, DEGW), _f32),
            mesh=_mesh(),
            scratch_types=[
                pltpu.VMEM((DW, DEGW), _f32),
                pltpu.VMEM((DRT, DW), _i32),
                pltpu.VMEM_SHARED((N, DEGW), _f32),
            ],
        )
        edge_pass = pl.kernel(
            _edge_body,
            out_type=(
                jax.ShapeDtypeStruct((NS, ROWS_PER_TILE, H), _f32),
                jax.ShapeDtypeStruct((NS, ROWS_PER_TILE, H), _f32),
            ),
            mesh=_mesh(),
            scratch_types=[
                pltpu.VMEM((EPT + EW,), _i32),
                pltpu.VMEM((ERT, EW), _i32),
                pltpu.VMEM((EW, H), _f32),
                pltpu.VMEM((EW, H), _f32),
                pltpu.VMEM_SHARED((N, H), _f32),
                pltpu.SemaphoreType.DMA,
                pltpu.SemaphoreType.DMA,
                pltpu.SemaphoreType.DMA,
                pltpu.SemaphoreType.DMA,
            ],
        )
        _SC_KERNELS = (deg_pass, edge_pass)
    return _SC_KERNELS


_BLK = 1000
_GRID = N // _BLK


def _dinv_of(degp_blk):
    deg = degp_blk[0, :, 0] + degp_blk[1, :, 0] + 1.0
    return lax.rsqrt(deg)


def _k2_body(x_ref, w1_ref, b1_ref, degp_ref, yl_ref, yr_ref, st_ref):
    xw = jnp.dot(x_ref[...], w1_ref[...], preferred_element_type=_f32)
    dinv = _dinv_of(degp_ref[...])[:, None]
    y = xw * dinv
    yl_ref[...] = y[:, :H]
    yr_ref[...] = y[:, H:]
    st_ref[...] = y * dinv + b1_ref[...]


def _k4_body(accl_ref, accr_ref, st_ref, degp_ref, w2_ref, b2_ref,
             yl_ref, yr_ref, st2_ref):
    dinv = _dinv_of(degp_ref[...])[:, None]
    acc = jnp.concatenate([accl_ref[...], accr_ref[...]], axis=1)
    h1 = jnp.maximum(acc * dinv + st_ref[...], 0.0)
    xw2 = jnp.dot(h1, w2_ref[...], preferred_element_type=_f32)
    y2 = xw2 * dinv
    yl_ref[...] = y2[:, :H]
    yr_ref[...] = y2[:, H:]
    st2_ref[...] = y2 * dinv + b2_ref[...]


def _k6_body(accl_ref, accr_ref, st2_ref, degp_ref, wc_ref, bc_ref,
             out_ref, sum_ref):
    i = pl.program_id(0)

    @pl.when(i == 0)
    def _init():
        sum_ref[...] = jnp.zeros_like(sum_ref)

    dinv = _dinv_of(degp_ref[...])[:, None]
    acc = jnp.concatenate([accl_ref[...], accr_ref[...]], axis=1)
    h2 = jnp.maximum(acc * dinv + st2_ref[...], 0.0)
    sum_ref[...] += jnp.sum(h2, axis=0, keepdims=True)

    @pl.when(i == _GRID - 1)
    def _fin():
        mean = sum_ref[...] * (1.0 / N)
        logits = jnp.dot(mean, wc_ref[...],
                         preferred_element_type=_f32) + bc_ref[...]
        mx = jnp.max(logits, axis=1, keepdims=True)
        z = logits - mx
        out_ref[...] = z - jnp.log(jnp.sum(jnp.exp(z), axis=1, keepdims=True))


def _row_spec(w):
    return pl.BlockSpec((_BLK, w), lambda i: (i, 0))


_DEGP_SPEC = pl.BlockSpec((NC, _BLK, DEGW), lambda i: (0, i, 0))
_FULL2 = lambda a, b: pl.BlockSpec((a, b), lambda i: (0, 0))


def _k2(x, W1, b1r, degp):
    return pl.pallas_call(
        _k2_body,
        grid=(_GRID,),
        in_specs=[_row_spec(D), _FULL2(D, D), _FULL2(1, D), _DEGP_SPEC],
        out_specs=[_row_spec(H), _row_spec(H), _row_spec(D)],
        out_shape=[
            jax.ShapeDtypeStruct((N, H), _f32),
            jax.ShapeDtypeStruct((N, H), _f32),
            jax.ShapeDtypeStruct((N, D), _f32),
        ],
    )(x, W1, b1r, degp)


def _k4(accl, accr, st1, degp, W2, b2r):
    return pl.pallas_call(
        _k4_body,
        grid=(_GRID,),
        in_specs=[_row_spec(H), _row_spec(H), _row_spec(D), _DEGP_SPEC,
                  _FULL2(D, D), _FULL2(1, D)],
        out_specs=[_row_spec(H), _row_spec(H), _row_spec(D)],
        out_shape=[
            jax.ShapeDtypeStruct((N, H), _f32),
            jax.ShapeDtypeStruct((N, H), _f32),
            jax.ShapeDtypeStruct((N, D), _f32),
        ],
    )(accl, accr, st1, degp, W2, b2r)


def _k6(accl, accr, st2, degp, Wc, bcr):
    return pl.pallas_call(
        _k6_body,
        grid=(_GRID,),
        in_specs=[_row_spec(H), _row_spec(H), _row_spec(D), _DEGP_SPEC,
                  _FULL2(D, 2), _FULL2(1, 2)],
        out_specs=pl.BlockSpec((1, 2), lambda i: (0, 0)),
        out_shape=jax.ShapeDtypeStruct((1, 2), _f32),
        scratch_shapes=[pltpu.VMEM((1, D), _f32)],
    )(accl, accr, st2, degp, Wc, bcr)


@jax.jit
def kernel(x, edge_index, W1, b1, W2, b2, Wc, bc):
    src = jnp.pad(edge_index[0].reshape(NS, EPT), ((0, 0), (0, EW)))
    dst = edge_index[1].reshape(NS, ERT, EW)
    dst40 = edge_index[1].reshape(NC * NS, DRT, DW)

    ones_deg = jnp.ones((DW, DEGW), _f32)
    zeros_h = jnp.zeros((ROWS_PER_TILE, H), _f32)

    deg_pass, edge_pass = _sc_kernels()
    degp = deg_pass(dst40, ones_deg, zeros_h).reshape(NC, N, DEGW)

    yl, yr, st1 = _k2(x, W1, b1.reshape(1, D), degp)
    accl, accr = edge_pass(yl, yr, src, dst, zeros_h)
    yl2, yr2, st2 = _k4(accl.reshape(N, H), accr.reshape(N, H), st1, degp,
                        W2, b2.reshape(1, D))
    a2l, a2r = edge_pass(yl2, yr2, src, dst, zeros_h)
    return _k6(a2l.reshape(N, H), a2r.reshape(N, H), st2, degp,
               Wc, bc.reshape(1, 2))

# --- scband reference (transcript-rebuilt; emitter-appended) ---
"""Pipeline reference for scband-gcn-45260365365974 (READ-ONLY COPY).

The authoritative reference and input builder live on the scoring server;
editing this copy changes nothing except your own understanding.
"""

import jax, jax.numpy as jnp
import numpy as np

N = 10000
E = 160000
D_IN = 256
D_HID = 256
N_CLS = 2


def setup_inputs(seed: int = 0) -> dict:
    key = jax.random.key(seed)
    ks = jax.random.split(key, 8)
    x = jax.random.normal(ks[0], (N, D_IN), dtype=jnp.float32)
    edge_index = jax.random.randint(ks[1], (2, E), 0, N, dtype=jnp.int32)
    # GCNConv1 params
    W1 = jax.random.normal(ks[2], (D_IN, D_HID), dtype=jnp.float32) * (1.0 / np.sqrt(D_IN))
    b1 = jnp.zeros((D_HID,), dtype=jnp.float32)
    # GCNConv2 params
    W2 = jax.random.normal(ks[3], (D_HID, D_HID), dtype=jnp.float32) * (1.0 / np.sqrt(D_HID))
    b2 = jnp.zeros((D_HID,), dtype=jnp.float32)
    # classifier params
    Wc = jax.random.normal(ks[4], (D_HID, N_CLS), dtype=jnp.float32) * (1.0 / np.sqrt(D_HID))
    bc = jnp.zeros((N_CLS,), dtype=jnp.float32)
    return {"x": x, "edge_index": edge_index, "W1": W1, "b1": b1, "W2": W2, "b2": b2, "Wc": Wc, "bc": bc}


def gcn_conv(x, edge_index, W, b):
    # Faithful PyG GCNConv: add self-loops, symmetric normalization D^-1/2 (A+I) D^-1/2 X W + b
    n = x.shape[0]
    src = edge_index[0]
    dst = edge_index[1]
    loop = jnp.arange(n, dtype=src.dtype)
    src = jnp.concatenate([src, loop])
    dst = jnp.concatenate([dst, loop])
    xw = x @ W
    deg = jnp.zeros((n,), dtype=jnp.float32).at[dst].add(1.0)
    dinv = jnp.where(deg > 0.0, jax.lax.rsqrt(deg), 0.0)
    norm = dinv[src] * dinv[dst]
    msgs = xw[src] * norm[:, None]
    out = jnp.zeros((n, xw.shape[1]), dtype=xw.dtype).at[dst].add(msgs)
    return out + b


def reference(x, edge_index, W1, b1, W2, b2, Wc, bc):
    h = jax.nn.relu(gcn_conv(x, edge_index, W1, b1))
    # dropout is identity in eval/deterministic mode
    h = jax.nn.relu(gcn_conv(h, edge_index, W2, b2))
    # no batch attr -> global mean over all nodes, keepdim
    h = jnp.mean(h, axis=0, keepdims=True)
    logits = h @ Wc + bc
    return jax.nn.log_softmax(logits, axis=1)

if __name__ == "__main__":
    import jax
    _d = setup_inputs()
    print(jax.jit(kernel)(*tuple(_d.values())))

</pallas_src>

<mosaic_0001>
#map = affine_map<(d0, d1) -> (0, 0)>
#map1 = affine_map<(d0, d1) -> (0, 0, 0)>
module attributes {stable_mosaic.version = 14 : i64} {
  func.func @_edge_body(%arg0: i32, %arg1: i32, %arg2: memref<10000x128xf32, #tpu.memory_space<hbm>>, %arg3: memref<10000x128xf32, #tpu.memory_space<hbm>>, %arg4: memref<16x10080xi32, #tpu.memory_space<hbm>>, %arg5: memref<16x125x80xi32, #tpu.memory_space<hbm>>, %arg6: memref<625x128xf32, #tpu.memory_space<hbm>>, %arg7: memref<16x625x128xf32, #tpu.memory_space<hbm>>, %arg8: memref<16x625x128xf32, #tpu.memory_space<hbm>>, %arg9: memref<10080xi32, #tpu.memory_space<vmem>>, %arg10: memref<125x80xi32, #tpu.memory_space<vmem>>, %arg11: memref<80x128xf32, #tpu.memory_space<vmem>>, %arg12: memref<80x128xf32, #tpu.memory_space<vmem>>, %arg13: memref<10000x128xf32, #tpu.memory_space<vmem_shared>>, %arg14: memref<!tpu.dma_semaphore, #tpu.memory_space<semaphore_mem>>, %arg15: memref<!tpu.dma_semaphore, #tpu.memory_space<semaphore_mem>>, %arg16: memref<!tpu.dma_semaphore, #tpu.memory_space<semaphore_mem>>, %arg17: memref<!tpu.dma_semaphore, #tpu.memory_space<semaphore_mem>>) attributes {dimension_semantics = [#tpu.dimension_semantics<core_parallel>, #tpu.dimension_semantics<subcore_parallel>], iteration_bounds = array<i64: 2, 16>, scalar_prefetch = 0 : i64, scratch_operands = 9 : i64, tpu.core_type = #tpu.core_type<sc_vector_subcore>, window_params = [{transform_indices = #map}, {transform_indices = #map}, {transform_indices = #map}, {transform_indices = #map1}, {transform_indices = #map}, {transform_indices = #map1}, {transform_indices = #map1}]} {
    "tpu.region"() ({
      %run_scoped3A = tpu.sem_alloc : memref<!tpu.dma_semaphore, #tpu.memory_space<semaphore_mem>>
      %dma_start3A = arith.constant 0 : i32
      %dma_start3A_7 = tpu.memref_slice %arg4[%arg1, %dma_start3A] : memref<16x10080xi32, #tpu.memory_space<hbm>> -> memref<1x10080xi32, #tpu.memory_space<hbm>>
      %dma_start3A_8 = tpu.memref_squeeze %dma_start3A_7 : memref<1x10080xi32, #tpu.memory_space<hbm>> -> memref<10080xi32, #tpu.memory_space<hbm>>
      %dma_start3A_9 = arith.constant 0 : i32
      %dma_start3A_10 = tpu.memref_slice %arg4[%arg1, %dma_start3A_9] : memref<16x10080xi32, #tpu.memory_space<hbm>> -> memref<1x10080xi32, #tpu.memory_space<hbm>>
      %dma_start3A_11 = tpu.memref_squeeze %dma_start3A_10 : memref<1x10080xi32, #tpu.memory_space<hbm>> -> memref<10080xi32, #tpu.memory_space<hbm>>
      tpu.enqueue_dma source(%dma_start3A_11 : memref<10080xi32, #tpu.memory_space<hbm>>) target(%arg9 : memref<10080xi32, #tpu.memory_space<vmem>>) target_semaphore(%run_scoped3A : memref<!tpu.dma_semaphore, #tpu.memory_space<semaphore_mem>>)
      %dma_wait3A = arith.constant 0 : i32
      %dma_wait3A_12 = tpu.memref_slice %arg4[%arg1, %dma_wait3A] : memref<16x10080xi32, #tpu.memory_space<hbm>> -> memref<1x10080xi32, #tpu.memory_space<hbm>>
      %dma_wait3A_13 = tpu.memref_squeeze %dma_wait3A_12 : memref<1x10080xi32, #tpu.memory_space<hbm>> -> memref<10080xi32, #tpu.memory_space<hbm>>
      %dma_wait3A_14 = arith.constant 0 : i32
      %dma_wait3A_15 = tpu.memref_slice %arg4[%arg1, %dma_wait3A_14] : memref<16x10080xi32, #tpu.memory_space<hbm>> -> memref<1x10080xi32, #tpu.memory_space<hbm>>
      %dma_wait3A_16 = tpu.memref_squeeze %dma_wait3A_15 : memref<1x10080xi32, #tpu.memory_space<hbm>> -> memref<10080xi32, #tpu.memory_space<hbm>>
      tpu.wait_dma2 semaphore(%run_scoped3A : memref<!tpu.dma_semaphore, #tpu.memory_space<semaphore_mem>>) src(%dma_wait3A_16 : memref<10080xi32, #tpu.memory_space<hbm>>) dst(%arg9 : memref<10080xi32, #tpu.memory_space<vmem>>)
      tpu.yield
    }) : () -> ()
    "tpu.region"() ({
      %run_scoped3A = tpu.sem_alloc : memref<!tpu.dma_semaphore, #tpu.memory_space<semaphore_mem>>
      %dma_start3A = arith.constant 0 : i32
      %dma_start3A_7 = arith.constant 0 : i32
      %dma_start3A_8 = tpu.memref_slice %arg5[%arg1, %dma_start3A, %dma_start3A_7] : memref<16x125x80xi32, #tpu.memory_space<hbm>> -> memref<1x125x80xi32, #tpu.memory_space<hbm>>
      %dma_start3A_9 = tpu.memref_squeeze %dma_start3A_8 : memref<1x125x80xi32, #tpu.memory_space<hbm>> -> memref<125x80xi32, #tpu.memory_space<hbm>>
      %dma_start3A_10 = arith.constant 0 : i32
      %dma_start3A_11 = arith.constant 0 : i32
      %dma_start3A_12 = tpu.memref_slice %arg5[%arg1, %dma_start3A_10, %dma_start3A_11] : memref<16x125x80xi32, #tpu.memory_space<hbm>> -> memref<1x125x80xi32, #tpu.memory_space<hbm>>
      %dma_start3A_13 = tpu.memref_squeeze %dma_start3A_12 : memref<1x125x80xi32, #tpu.memory_space<hbm>> -> memref<125x80xi32, #tpu.memory_space<hbm>>
      tpu.enqueue_dma source(%dma_start3A_13 : memref<125x80xi32, #tpu.memory_space<hbm>>) target(%arg10 : memref<125x80xi32, #tpu.memory_space<vmem>>) target_semaphore(%run_scoped3A : memref<!tpu.dma_semaphore, #tpu.memory_space<semaphore_mem>>)
      %dma_wait3A = arith.constant 0 : i32
      %dma_wait3A_14 = arith.constant 0 : i32
      %dma_wait3A_15 = tpu.memref_slice %arg5[%arg1, %dma_wait3A, %dma_wait3A_14] : memref<16x125x80xi32, #tpu.memory_space<hbm>> -> memref<1x125x80xi32, #tpu.memory_space<hbm>>
      %dma_wait3A_16 = tpu.memref_squeeze %dma_wait3A_15 : memref<1x125x80xi32, #tpu.memory_space<hbm>> -> memref<125x80xi32, #tpu.memory_space<hbm>>
      %dma_wait3A_17 = arith.constant 0 : i32
      %dma_wait3A_18 = arith.constant 0 : i32
      %dma_wait3A_19 = tpu.memref_slice %arg5[%arg1, %dma_wait3A_17, %dma_wait3A_18] : memref<16x125x80xi32, #tpu.memory_space<hbm>> -> memref<1x125x80xi32, #tpu.memory_space<hbm>>
      %dma_wait3A_20 = tpu.memref_squeeze %dma_wait3A_19 : memref<1x125x80xi32, #tpu.memory_space<hbm>> -> memref<125x80xi32, #tpu.memory_space<hbm>>
      tpu.wait_dma2 semaphore(%run_scoped3A : memref<!tpu.dma_semaphore, #tpu.memory_space<semaphore_mem>>) src(%dma_wait3A_20 : memref<125x80xi32, #tpu.memory_space<hbm>>) dst(%arg10 : memref<125x80xi32, #tpu.memory_space<vmem>>)
      tpu.yield
    }) : () -> ()
    %eq3A = arith.constant 0 : i32
    %eq3A_0 = arith.cmpi eq, %arg0, %eq3A : i32
    %convert_element_type3A = arith.extui %eq3A_0 : i1 to i32
    %cond3A = arith.constant 0 : i32
    %cond3A_1 = arith.cmpi ne, %convert_element_type3A, %cond3A : i32
    scf.if %cond3A_1 {
      %mul3A = arith.constant 625 : i32
      %mul3A_7 = arith.muli %arg1, %mul3A : i32
      "tpu.region"() ({
        %run_scoped3A = tpu.sem_alloc : memref<!tpu.dma_semaphore, #tpu.memory_space<semaphore_mem>>
        %dma_start3A_48 = arith.constant 0 : i32
        %dma_start3A_49 = tpu.memref_slice %arg13[%mul3A_7, %dma_start3A_48] : memref<10000x128xf32, #tpu.memory_space<vmem_shared>> -> memref<625x128xf32, #tpu.memory_space<vmem_shared>>
        tpu.enqueue_dma source(%arg6 : memref<625x128xf32, #tpu.memory_space<hbm>>) target(%dma_start3A_49 : memref<625x128xf32, #tpu.memory_space<vmem_shared>>) target_semaphore(%run_scoped3A : memref<!tpu.dma_semaphore, #tpu.memory_space<semaphore_mem>>)
        %dma_wait3A_50 = arith.constant 0 : i32
        %dma_wait3A_51 = tpu.memref_slice %arg13[%mul3A_7, %dma_wait3A_50] : memref<10000x128xf32, #tpu.memory_space<vmem_shared>> -> memref<625x128xf32, #tpu.memory_space<vmem_shared>>
        tpu.wait_dma2 semaphore(%run_scoped3A : memref<!tpu.dma_semaphore, #tpu.memory_space<semaphore_mem>>) src(%arg6 : memref<625x128xf32, #tpu.memory_space<hbm>>) dst(%dma_wait3A_51 : memref<625x128xf32, #tpu.memory_space<vmem_shared>>)
        tpu.yield
      }) : () -> ()
      %barrier3A = arith.constant 0 : index
      tpu.barrier barrier_id(%barrier3A)
      %dma_start3A = arith.constant 0 : i32
      %dma_start3A_8 = tpu.memref_slice %arg9[%dma_start3A] : memref<10080xi32, #tpu.memory_space<vmem>> -> memref<80xi32, #tpu.memory_space<vmem>>
      %dma_start3A_9 = arith.constant 0 : i32
      %dma_start3A_10 = arith.constant 0 : i32
      %dma_start3A_11 = tpu.memref_slice %arg2[%dma_start3A_9, %dma_start3A_10] : memref<10000x128xf32, #tpu.memory_space<hbm>> -> memref<10000x128xf32, #tpu.memory_space<hbm>>
      tpu.enqueue_indirect_dma source(%dma_start3A_11 : memref<10000x128xf32, #tpu.memory_space<hbm>>) target(%arg11 : memref<80x128xf32, #tpu.memory_space<vmem>>) offsets(%dma_start3A_8 : memref<80xi32, #tpu.memory_space<vmem>>) semaphore(%arg14 : memref<!tpu.dma_semaphore, #tpu.memory_space<semaphore_mem>>)
      %dma_wait3A = arith.constant 0 : i32
      %dma_wait3A_12 = tpu.memref_slice %arg9[%dma_wait3A] : memref<10080xi32, #tpu.memory_space<vmem>> -> memref<80xi32, #tpu.memory_space<vmem>>
      %dma_wait3A_13 = arith.constant 0 : i32
      %dma_wait3A_14 = arith.constant 0 : i32
      %dma_wait3A_15 = tpu.memref_slice %arg2[%dma_wait3A_13, %dma_wait3A_14] : memref<10000x128xf32, #tpu.memory_space<hbm>> -> memref<10000x128xf32, #tpu.memory_space<hbm>>
      tpu.wait_indirect_dma semaphore(%arg14 : memref<!tpu.dma_semaphore, #tpu.memory_space<semaphore_mem>>) src(%dma_wait3A_15 : memref<10000x128xf32, #tpu.memory_space<hbm>>) dst(%arg11 : memref<80x128xf32, #tpu.memory_space<vmem>>)
      %dma_start3A_16 = arith.constant 80 : i32
      %dma_start3A_17 = tpu.memref_slice %arg9[%dma_start3A_16] : memref<10080xi32, #tpu.memory_space<vmem>> -> memref<80xi32, #tpu.memory_space<vmem>>
      %dma_start3A_18 = arith.constant 0 : i32
      %dma_start3A_19 = arith.constant 0 : i32
      %dma_start3A_20 = tpu.memref_slice %arg2[%dma_start3A_18, %dma_start3A_19] : memref<10000x128xf32, #tpu.memory_space<hbm>> -> memref<10000x128xf32, #tpu.memory_space<hbm>>
      tpu.enqueue_indirect_dma source(%dma_start3A_20 : memref<10000x128xf32, #tpu.memory_space<hbm>>) target(%arg12 : memref<80x128xf32, #tpu.memory_space<vmem>>) offsets(%dma_start3A_17 : memref<80xi32, #tpu.memory_space<vmem>>) semaphore(%arg15 : memref<!tpu.dma_semaphore, #tpu.memory_space<semaphore_mem>>)
      %dma_start3A_21 = arith.constant 0 : i32
      %dma_start3A_22 = arith.constant 0 : i32
      %dma_start3A_23 = tpu.memref_slice %arg10[%dma_start3A_21, %dma_start3A_22] : memref<125x80xi32, #tpu.memory_space<vmem>> -> memref<1x80xi32, #tpu.memory_space<vmem>>
      %dma_start3A_24 = tpu.memref_squeeze %dma_start3A_23 : memref<1x80xi32, #tpu.memory_space<vmem>> -> memref<80xi32, #tpu.memory_space<vmem>>
      %dma_start3A_25 = arith.constant 0 : i32
      %dma_start3A_26 = arith.constant 0 : i32
      %dma_start3A_27 = tpu.memref_slice %arg13[%dma_start3A_25, %dma_start3A_26] : memref<10000x128xf32, #tpu.memory_space<vmem_shared>> -> memref<10000x128xf32, #tpu.memory_space<vmem_shared>>
      tpu.enqueue_indirect_dma source(%arg11 : memref<80x128xf32, #tpu.memory_space<vmem>>) target(%dma_start3A_27 : memref<10000x128xf32, #tpu.memory_space<vmem_shared>>) offsets(%dma_start3A_24 : memref<80xi32, #tpu.memory_space<vmem>>) semaphore(%arg16 : memref<!tpu.dma_semaphore, #tpu.memory_space<semaphore_mem>>) {add = true}
      %scan3A = arith.constant 0 : i32
      %scan3A_28 = arith.constant 0 : i32
      %scan3A_29 = arith.constant 62 : i32
      %scan3A_30 = arith.addi %scan3A_28, %scan3A_29 : i32
      %scan3A_31 = arith.constant 1 : i32
      scf.for %scan3A_48 = %scan3A_28 to %scan3A_30 step %scan3A_31  : i32 {
        %mul3A_49 = arith.constant 2 : i32
        %mul3A_50 = arith.muli %mul3A_49, %scan3A_48 : i32
        %add3A = arith.constant 1 : i32
        %add3A_51 = arith.addi %mul3A_50, %add3A : i32
        %mul3A_52 = arith.constant 80 : i32
        %mul3A_53 = arith.muli %add3A_51, %mul3A_52 : i32
        %dma_wait3A_54 = tpu.memref_slice %arg9[%mul3A_53] : memref<10080xi32, #tpu.memory_space<vmem>> -> memref<80xi32, #tpu.memory_space<vmem>>
        %dma_wait3A_55 = arith.constant 0 : i32
        %dma_wait3A_56 = arith.constant 0 : i32
        %dma_wait3A_57 = tpu.memref_slice %arg2[%dma_wait3A_55, %dma_wait3A_56] : memref<10000x128xf32, #tpu.memory_space<hbm>> -> memref<10000x128xf32, #tpu.memory_space<hbm>>
        tpu.wait_indirect_dma semaphore(%arg15 : memref<!tpu.dma_semaphore, #tpu.memory_space<semaphore_mem>>) src(%dma_wait3A_57 : memref<10000x128xf32, #tpu.memory_space<hbm>>) dst(%arg12 : memref<80x128xf32, #tpu.memory_space<vmem>>)
        %dma_start3A_58 = arith.constant 0 : i32
        %dma_start3A_59 = tpu.memref_slice %arg10[%add3A_51, %dma_start3A_58] : memref<125x80xi32, #tpu.memory_space<vmem>> -> memref<1x80xi32, #tpu.memory_space<vmem>>
        %dma_start3A_60 = tpu.memref_squeeze %dma_start3A_59 : memref<1x80xi32, #tpu.memory_space<vmem>> -> memref<80xi32, #tpu.memory_space<vmem>>
        %dma_start3A_61 = arith.constant 0 : i32
        %dma_start3A_62 = arith.constant 0 : i32
        %dma_start3A_63 = tpu.memref_slice %arg13[%dma_start3A_61, %dma_start3A_62] : memref<10000x128xf32, #tpu.memory_space<vmem_shared>> -> memref<10000x128xf32, #tpu.memory_space<vmem_shared>>
        tpu.enqueue_indirect_dma source(%arg12 : memref<80x128xf32, #tpu.memory_space<vmem>>) target(%dma_start3A_63 : memref<10000x128xf32, #tpu.memory_space<vmem_shared>>) offsets(%dma_start3A_60 : memref<80xi32, #tpu.memory_space<vmem>>) semaphore(%arg17 : memref<!tpu.dma_semaphore, #tpu.memory_space<semaphore_mem>>) {add = true}
        %sub3A = arith.constant 1 : i32
        %sub3A_64 = arith.subi %add3A_51, %sub3A : i32
        %dma_wait3A_65 = arith.constant 0 : i32
        %dma_wait3A_66 = tpu.memref_slice %arg10[%sub3A_64, %dma_wait3A_65] : memref<125x80xi32, #tpu.memory_space<vmem>> -> memref<1x80xi32, #tpu.memory_space<vmem>>
        %dma_wait3A_67 = tpu.memref_squeeze %dma_wait3A_66 : memref<1x80xi32, #tpu.memory_space<vmem>> -> memref<80xi32, #tpu.memory_space<vmem>>
        %dma_wait3A_68 = arith.constant 0 : i32
        %dma_wait3A_69 = arith.constant 0 : i32
        %dma_wait3A_70 = tpu.memref_slice %arg13[%dma_wait3A_68, %dma_wait3A_69] : memref<10000x128xf32, #tpu.memory_space<vmem_shared>> -> memref<10000x128xf32, #tpu.memory_space<vmem_shared>>
        tpu.wait_indirect_dma semaphore(%arg16 : memref<!tpu.dma_semaphore, #tpu.memory_space<semaphore_mem>>) src(%arg11 : memref<80x128xf32, #tpu.memory_space<vmem>>) dst(%dma_wait3A_70 : memref<10000x128xf32, #tpu.memory_space<vmem_shared>>)
        %add3A_71 = arith.constant 1 : i32
        %add3A_72 = arith.addi %add3A_51, %add3A_71 : i32
        %mul3A_73 = arith.constant 80 : i32
        %mul3A_74 = arith.muli %add3A_72, %mul3A_73 : i32
        %dma_start3A_75 = tpu.memref_slice %arg9[%mul3A_74] : memref<10080xi32, #tpu.memory_space<vmem>> -> memref<80xi32, #tpu.memory_space<vmem>>
        %dma_start3A_76 = arith.constant 0 : i32
        %dma_start3A_77 = arith.constant 0 : i32
        %dma_start3A_78 = tpu.memref_slice %arg2[%dma_start3A_76, %dma_start3A_77] : memref<10000x128xf32, #tpu.memory_space<hbm>> -> memref<10000x128xf32, #tpu.memory_space<hbm>>
        tpu.enqueue_indirect_dma source(%dma_start3A_78 : memref<10000x128xf32, #tpu.memory_space<hbm>>) target(%arg11 : memref<80x128xf32, #tpu.memory_space<vmem>>) offsets(%dma_start3A_75 : memref<80xi32, #tpu.memory_space<vmem>>) semaphore(%arg14 : memref<!tpu.dma_semaphore, #tpu.memory_space<semaphore_mem>>)
        %add3A_79 = arith.constant 1 : i32
        %add3A_80 = arith.addi %add3A_51, %add3A_79 : i32
        %mul3A_81 = arith.constant 80 : i32
        %mul3A_82 = arith.muli %add3A_80, %mul3A_81 : i32
        %dma_wait3A_83 = tpu.memref_slice %arg9[%mul3A_82] : memref<10080xi32, #tpu.memory_space<vmem>> -> memref<80xi32, #tpu.memory_space<vmem>>
        %dma_wait3A_84 = arith.constant 0 : i32
        %dma_wait3A_85 = arith.constant 0 : i32
        %dma_wait3A_86 = tpu.memref_slice %arg2[%dma_wait3A_84, %dma_wait3A_85] : memref<10000x128xf32, #tpu.memory_space<hbm>> -> memref<10000x128xf32, #tpu.memory_space<hbm>>
        tpu.wait_indirect_dma semaphore(%arg14 : memref<!tpu.dma_semaphore, #tpu.memory_space<semaphore_mem>>) src(%dma_wait3A_86 : memref<10000x128xf32, #tpu.memory_space<hbm>>) dst(%arg11 : memref<80x128xf32, #tpu.memory_space<vmem>>)
        %add3A_87 = arith.constant 1 : i32
        %add3A_88 = arith.addi %add3A_51, %add3A_87 : i32
        %dma_start3A_89 = arith.constant 0 : i32
        %dma_start3A_90 = tpu.memref_slice %arg10[%add3A_88, %dma_start3A_89] : memref<125x80xi32, #tpu.memory_space<vmem>> -> memref<1x80xi32, #tpu.memory_space<vmem>>
        %dma_start3A_91 = tpu.memref_squeeze %dma_start3A_90 : memref<1x80xi32, #tpu.memory_space<vmem>> -> memref<80xi32, #tpu.memory_space<vmem>>
        %dma_start3A_92 = arith.constant 0 : i32
        %dma_start3A_93 = arith.constant 0 : i32
        %dma_start3A_94 = tpu.memref_slice %arg13[%dma_start3A_92, %dma_start3A_93] : memref<10000x128xf32, #tpu.memory_space<vmem_shared>> -> memref<10000x128xf32, #tpu.memory_space<vmem_shared>>
        tpu.enqueue_indirect_dma source(%arg11 : memref<80x128xf32, #tpu.memory_space<vmem>>) target(%dma_start3A_94 : memref<10000x128xf32, #tpu.memory_space<vmem_shared>>) offsets(%dma_start3A_91 : memref<80xi32, #tpu.memory_space<vmem>>) semaphore(%arg16 : memref<!tpu.dma_semaphore, #tpu.memory_space<semaphore_mem>>) {add = true}
        %dma_wait3A_95 = arith.constant 0 : i32
        %dma_wait3A_96 = tpu.memref_slice %arg10[%add3A_51, %dma_wait3A_95] : memref<125x80xi32, #tpu.memory_space<vmem>> -> memref<1x80xi32, #tpu.memory_space<vmem>>
        %dma_wait3A_97 = tpu.memref_squeeze %dma_wait3A_96 : memref<1x80xi32, #tpu.memory_space<vmem>> -> memref<80xi32, #tpu.memory_space<vmem>>
        %dma_wait3A_98 = arith.constant 0 : i32
        %dma_wait3A_99 = arith.constant 0 : i32
        %dma_wait3A_100 = tpu.memref_slice %arg13[%dma_wait3A_98, %dma_wait3A_99] : memref<10000x128xf32, #tpu.memory_space<vmem_shared>> -> memref<10000x128xf32, #tpu.memory_space<vmem_shared>>
        tpu.wait_indirect_dma semaphore(%arg17 : memref<!tpu.dma_semaphore, #tpu.memory_space<semaphore_mem>>) src(%arg12 : memref<80x128xf32, #tpu.memory_space<vmem>>) dst(%dma_wait3A_100 : memref<10000x128xf32, #tpu.memory_space<vmem_shared>>)
        %add3A_101 = arith.constant 2 : i32
        %add3A_102 = arith.addi %add3A_51, %add3A_101 : i32
        %mul3A_103 = arith.constant 80 : i32
        %mul3A_104 = arith.muli %add3A_102, %mul3A_103 : i32
        %dma_start3A_105 = tpu.memref_slice %arg9[%mul3A_104] : memref<10080xi32, #tpu.memory_space<vmem>> -> memref<80xi32, #tpu.memory_space<vmem>>
        %dma_start3A_106 = arith.constant 0 : i32
        %dma_start3A_107 = arith.constant 0 : i32
        %dma_start3A_108 = tpu.memref_slice %arg2[%dma_start3A_106, %dma_start3A_107] : memref<10000x128xf32, #tpu.memory_space<hbm>> -> memref<10000x128xf32, #tpu.memory_space<hbm>>
        tpu.enqueue_indirect_dma source(%dma_start3A_108 : memref<10000x128xf32, #tpu.memory_space<hbm>>) target(%arg12 : memref<80x128xf32, #tpu.memory_space<vmem>>) offsets(%dma_start3A_105 : memref<80xi32, #tpu.memory_space<vmem>>) semaphore(%arg15 : memref<!tpu.dma_semaphore, #tpu.memory_space<semaphore_mem>>)
      }
      %scan3A_32 = arith.constant 62 : i32
      %dma_wait3A_33 = arith.constant 124 : i32
      %dma_wait3A_34 = arith.constant 0 : i32
      %dma_wait3A_35 = tpu.memref_slice %arg10[%dma_wait3A_33, %dma_wait3A_34] : memref<125x80xi32, #tpu.memory_space<vmem>> -> memref<1x80xi32, #tpu.memory_space<vmem>>
      %dma_wait3A_36 = tpu.memref_squeeze %dma_wait3A_35 : memref<1x80xi32, #tpu.memory_space<vmem>> -> memref<80xi32, #tpu.memory_space<vmem>>
      %dma_wait3A_37 = arith.constant 0 : i32
      %dma_wait3A_38 = arith.constant 0 : i32
      %dma_wait3A_39 = tpu.memref_slice %arg13[%dma_wait3A_37, %dma_wait3A_38] : memref<10000x128xf32, #tpu.memory_space<vmem_shared>> -> memref<10000x128xf32, #tpu.memory_space<vmem_shared>>
      tpu.wait_indirect_dma semaphore(%arg16 : memref<!tpu.dma_semaphore, #tpu.memory_space<semaphore_mem>>) src(%arg11 : memref<80x128xf32, #tpu.memory_space<vmem>>) dst(%dma_wait3A_39 : memref<10000x128xf32, #tpu.memory_space<vmem_shared>>)
      %dma_wait3A_40 = arith.constant 10000 : i32
      %dma_wait3A_41 = tpu.memref_slice %arg9[%dma_wait3A_40] : memref<10080xi32, #tpu.memory_space<vmem>> -> memref<80xi32, #tpu.memory_space<vmem>>
      %dma_wait3A_42 = arith.constant 0 : i32
      %dma_wait3A_43 = arith.constant 0 : i32
      %dma_wait3A_44 = tpu.memref_slice %arg2[%dma_wait3A_42, %dma_wait3A_43] : memref<10000x128xf32, #tpu.memory_space<hbm>> -> memref<10000x128xf32, #tpu.memory_space<hbm>>
      tpu.wait_indirect_dma semaphore(%arg15 : memref<!tpu.dma_semaphore, #tpu.memory_space<semaphore_mem>>) src(%dma_wait3A_44 : memref<10000x128xf32, #tpu.memory_space<hbm>>) dst(%arg12 : memref<80x128xf32, #tpu.memory_space<vmem>>)
      %barrier3A_45 = arith.constant 0 : index
      tpu.barrier barrier_id(%barrier3A_45)
      %mul3A_46 = arith.constant 625 : i32
      %mul3A_47 = arith.muli %arg1, %mul3A_46 : i32
      "tpu.region"() ({
        %run_scoped3A = tpu.sem_alloc : memref<!tpu.dma_semaphore, #tpu.memory_space<semaphore_mem>>
        %dma_start3A_48 = arith.constant 0 : i32
        %dma_start3A_49 = arith.constant 0 : i32
        %dma_start3A_50 = tpu.memref_slice %arg7[%arg1, %dma_start3A_48, %dma_start3A_49] : memref<16x625x128xf32, #tpu.memory_space<hbm>> -> memref<1x625x128xf32, #tpu.memory_space<hbm>>
        %dma_start3A_51 = tpu.memref_squeeze %dma_start3A_50 : memref<1x625x128xf32, #tpu.memory_space<hbm>> -> memref<625x128xf32, #tpu.memory_space<hbm>>
        %dma_start3A_52 = arith.constant 0 : i32
        %dma_start3A_53 = tpu.memref_slice %arg13[%mul3A_47, %dma_start3A_52] : memref<10000x128xf32, #tpu.memory_space<vmem_shared>> -> memref<625x128xf32, #tpu.memory_space<vmem_shared>>
        tpu.enqueue_dma source(%dma_start3A_53 : memref<625x128xf32, #tpu.memory_space<vmem_shared>>) target(%dma_start3A_51 : memref<625x128xf32, #tpu.memory_space<hbm>>) target_semaphore(%run_scoped3A : memref<!tpu.dma_semaphore, #tpu.memory_space<semaphore_mem>>)
        %dma_wait3A_54 = arith.constant 0 : i32
        %dma_wait3A_55 = arith.constant 0 : i32
        %dma_wait3A_56 = tpu.memref_slice %arg7[%arg1, %dma_wait3A_54, %dma_wait3A_55] : memref<16x625x128xf32, #tpu.memory_space<hbm>> -> memref<1x625x128xf32, #tpu.memory_space<hbm>>
        %dma_wait3A_57 = tpu.memref_squeeze %dma_wait3A_56 : memref<1x625x128xf32, #tpu.memory_space<hbm>> -> memref<625x128xf32, #tpu.memory_space<hbm>>
        %dma_wait3A_58 = arith.constant 0 : i32
        %dma_wait3A_59 = tpu.memref_slice %arg13[%mul3A_47, %dma_wait3A_58] : memref<10000x128xf32, #tpu.memory_space<vmem_shared>> -> memref<625x128xf32, #tpu.memory_space<vmem_shared>>
        tpu.wait_dma2 semaphore(%run_scoped3A : memref<!tpu.dma_semaphore, #tpu.memory_space<semaphore_mem>>) src(%dma_wait3A_59 : memref<625x128xf32, #tpu.memory_space<vmem_shared>>) dst(%dma_wait3A_57 : memref<625x128xf32, #tpu.memory_space<hbm>>)
        tpu.yield
      }) : () -> ()
    } else {
    }
    %eq3A_2 = arith.constant 1 : i32
    %eq3A_3 = arith.cmpi eq, %arg0, %eq3A_2 : i32
    %convert_element_type3A_4 = arith.extui %eq3A_3 : i1 to i32
    %cond3A_5 = arith.constant 0 : i32
    %cond3A_6 = arith.cmpi ne, %convert_element_type3A_4, %cond3A_5 : i32
    scf.if %cond3A_6 {
      %mul3A = arith.constant 625 : i32
      %mul3A_7 = arith.muli %arg1, %mul3A : i32
      "tpu.region"() ({
        %run_scoped3A = tpu.sem_alloc : memref<!tpu.dma_semaphore, #tpu.memory_space<semaphore_mem>>
        %dma_start3A_48 = arith.constant 0 : i32
        %dma_start3A_49 = tpu.memref_slice %arg13[%mul3A_7, %dma_start3A_48] : memref<10000x128xf32, #tpu.memory_space<vmem_shared>> -> memref<625x128xf32, #tpu.memory_space<vmem_shared>>
        tpu.enqueue_dma source(%arg6 : memref<625x128xf32, #tpu.memory_space<hbm>>) target(%dma_start3A_49 : memref<625x128xf32, #tpu.memory_space<vmem_shared>>) target_semaphore(%run_scoped3A : memref<!tpu.dma_semaphore, #tpu.memory_space<semaphore_mem>>)
        %dma_wait3A_50 = arith.constant 0 : i32
        %dma_wait3A_51 = tpu.memref_slice %arg13[%mul3A_7, %dma_wait3A_50] : memref<10000x128xf32, #tpu.memory_space<vmem_shared>> -> memref<625x128xf32, #tpu.memory_space<vmem_shared>>
        tpu.wait_dma2 semaphore(%run_scoped3A : memref<!tpu.dma_semaphore, #tpu.memory_space<semaphore_mem>>) src(%arg6 : memref<625x128xf32, #tpu.memory_space<hbm>>) dst(%dma_wait3A_51 : memref<625x128xf32, #tpu.memory_space<vmem_shared>>)
        tpu.yield
      }) : () -> ()
      %barrier3A = arith.constant 0 : index
      tpu.barrier barrier_id(%barrier3A)
      %dma_start3A = arith.constant 0 : i32
      %dma_start3A_8 = tpu.memref_slice %arg9[%dma_start3A] : memref<10080xi32, #tpu.memory_space<vmem>> -> memref<80xi32, #tpu.memory_space<vmem>>
      %dma_start3A_9 = arith.constant 0 : i32
      %dma_start3A_10 = arith.constant 0 : i32
      %dma_start3A_11 = tpu.memref_slice %arg3[%dma_start3A_9, %dma_start3A_10] : memref<10000x128xf32, #tpu.memory_space<hbm>> -> memref<10000x128xf32, #tpu.memory_space<hbm>>
      tpu.enqueue_indirect_dma source(%dma_start3A_11 : memref<10000x128xf32, #tpu.memory_space<hbm>>) target(%arg11 : memref<80x128xf32, #tpu.memory_space<vmem>>) offsets(%dma_start3A_8 : memref<80xi32, #tpu.memory_space<vmem>>) semaphore(%arg14 : memref<!tpu.dma_semaphore, #tpu.memory_space<semaphore_mem>>)
      %dma_wait3A = arith.constant 0 : i32
      %dma_wait3A_12 = tpu.memref_slice %arg9[%dma_wait3A] : memref<10080xi32, #tpu.memory_space<vmem>> -> memref<80xi32, #tpu.memory_space<vmem>>
      %dma_wait3A_13 = arith.constant 0 : i32
      %dma_wait3A_14 = arith.constant 0 : i32
      %dma_wait3A_15 = tpu.memref_slice %arg3[%dma_wait3A_13, %dma_wait3A_14] : memref<10000x128xf32, #tpu.memory_space<hbm>> -> memref<10000x128xf32, #tpu.memory_space<hbm>>
      tpu.wait_indirect_dma semaphore(%arg14 : memref<!tpu.dma_semaphore, #tpu.memory_space<semaphore_mem>>) src(%dma_wait3A_15 : memref<10000x128xf32, #tpu.memory_space<hbm>>) dst(%arg11 : memref<80x128xf32, #tpu.memory_space<vmem>>)
      %dma_start3A_16 = arith.constant 80 : i32
      %dma_start3A_17 = tpu.memref_slice %arg9[%dma_start3A_16] : memref<10080xi32, #tpu.memory_space<vmem>> -> memref<80xi32, #tpu.memory_space<vmem>>
      %dma_start3A_18 = arith.constant 0 : i32
      %dma_start3A_19 = arith.constant 0 : i32
      %dma_start3A_20 = tpu.memref_slice %arg3[%dma_start3A_18, %dma_start3A_19] : memref<10000x128xf32, #tpu.memory_space<hbm>> -> memref<10000x128xf32, #tpu.memory_space<hbm>>
      tpu.enqueue_indirect_dma source(%dma_start3A_20 : memref<10000x128xf32, #tpu.memory_space<hbm>>) target(%arg12 : memref<80x128xf32, #tpu.memory_space<vmem>>) offsets(%dma_start3A_17 : memref<80xi32, #tpu.memory_space<vmem>>) semaphore(%arg15 : memref<!tpu.dma_semaphore, #tpu.memory_space<semaphore_mem>>)
      %dma_start3A_21 = arith.constant 0 : i32
      %dma_start3A_22 = arith.constant 0 : i32
      %dma_start3A_23 = tpu.memref_slice %arg10[%dma_start3A_21, %dma_start3A_22] : memref<125x80xi32, #tpu.memory_space<vmem>> -> memref<1x80xi32, #tpu.memory_space<vmem>>
      %dma_start3A_24 = tpu.memref_squeeze %dma_start3A_23 : memref<1x80xi32, #tpu.memory_space<vmem>> -> memref<80xi32, #tpu.memory_space<vmem>>
      %dma_start3A_25 = arith.constant 0 : i32
      %dma_start3A_26 = arith.constant 0 : i32
      %dma_start3A_27 = tpu.memref_slice %arg13[%dma_start3A_25, %dma_start3A_26] : memref<10000x128xf32, #tpu.memory_space<vmem_shared>> -> memref<10000x128xf32, #tpu.memory_space<vmem_shared>>
      tpu.enqueue_indirect_dma source(%arg11 : memref<80x128xf32, #tpu.memory_space<vmem>>) target(%dma_start3A_27 : memref<10000x128xf32, #tpu.memory_space<vmem_shared>>) offsets(%dma_start3A_24 : memref<80xi32, #tpu.memory_space<vmem>>) semaphore(%arg16 : memref<!tpu.dma_semaphore, #tpu.memory_space<semaphore_mem>>) {add = true}
      %scan3A = arith.constant 0 : i32
      %scan3A_28 = arith.constant 0 : i32
      %scan3A_29 = arith.constant 62 : i32
      %scan3A_30 = arith.addi %scan3A_28, %scan3A_29 : i32
      %scan3A_31 = arith.constant 1 : i32
      scf.for %scan3A_48 = %scan3A_28 to %scan3A_30 step %scan3A_31  : i32 {
        %mul3A_49 = arith.constant 2 : i32
        %mul3A_50 = arith.muli %mul3A_49, %scan3A_48 : i32
        %add3A = arith.constant 1 : i32
        %add3A_51 = arith.addi %mul3A_50, %add3A : i32
        %mul3A_52 = arith.constant 80 : i32
        %mul3A_53 = arith.muli %add3A_51, %mul3A_52 : i32
        %dma_wait3A_54 = tpu.memref_slice %arg9[%mul3A_53] : memref<10080xi32, #tpu.memory_space<vmem>> -> memref<80xi32, #tpu.memory_space<vmem>>
        %dma_wait3A_55 = arith.constant 0 : i32
        %dma_wait3A_56 = arith.constant 0 : i32
        %dma_wait3A_57 = tpu.memref_slice %arg3[%dma_wait3A_55, %dma_wait3A_56] : memref<10000x128xf32, #tpu.memory_space<hbm>> -> memref<10000x128xf32, #tpu.memory_space<hbm>>
        tpu.wait_indirect_dma semaphore(%arg15 : memref<!tpu.dma_semaphore, #tpu.memory_space<semaphore_mem>>) src(%dma_wait3A_57 : memref<10000x128xf32, #tpu.memory_space<hbm>>) dst(%arg12 : memref<80x128xf32, #tpu.memory_space<vmem>>)
        %dma_start3A_58 = arith.constant 0 : i32
        %dma_start3A_59 = tpu.memref_slice %arg10[%add3A_51, %dma_start3A_58] : memref<125x80xi32, #tpu.memory_space<vmem>> -> memref<1x80xi32, #tpu.memory_space<vmem>>
        %dma_start3A_60 = tpu.memref_squeeze %dma_start3A_59 : memref<1x80xi32, #tpu.memory_space<vmem>> -> memref<80xi32, #tpu.memory_space<vmem>>
        %dma_start3A_61 = arith.constant 0 : i32
        %dma_start3A_62 = arith.constant 0 : i32
        %dma_start3A_63 = tpu.memref_slice %arg13[%dma_start3A_61, %dma_start3A_62] : memref<10000x128xf32, #tpu.memory_space<vmem_shared>> -> memref<10000x128xf32, #tpu.memory_space<vmem_shared>>
        tpu.enqueue_indirect_dma source(%arg12 : memref<80x128xf32, #tpu.memory_space<vmem>>) target(%dma_start3A_63 : memref<10000x128xf32, #tpu.memory_space<vmem_shared>>) offsets(%dma_start3A_60 : memref<80xi32, #tpu.memory_space<vmem>>) semaphore(%arg17 : memref<!tpu.dma_semaphore, #tpu.memory_space<semaphore_mem>>) {add = true}
        %sub3A = arith.constant 1 : i32
        %sub3A_64 = arith.subi %add3A_51, %sub3A : i32
        %dma_wait3A_65 = arith.constant 0 : i32
        %dma_wait3A_66 = tpu.memref_slice %arg10[%sub3A_64, %dma_wait3A_65] : memref<125x80xi32, #tpu.memory_space<vmem>> -> memref<1x80xi32, #tpu.memory_space<vmem>>
        %dma_wait3A_67 = tpu.memref_squeeze %dma_wait3A_66 : memref<1x80xi32, #tpu.memory_space<vmem>> -> memref<80xi32, #tpu.memory_space<vmem>>
        %dma_wait3A_68 = arith.constant 0 : i32
        %dma_wait3A_69 = arith.constant 0 : i32
        %dma_wait3A_70 = tpu.memref_slice %arg13[%dma_wait3A_68, %dma_wait3A_69] : memref<10000x128xf32, #tpu.memory_space<vmem_shared>> -> memref<10000x128xf32, #tpu.memory_space<vmem_shared>>
        tpu.wait_indirect_dma semaphore(%arg16 : memref<!tpu.dma_semaphore, #tpu.memory_space<semaphore_mem>>) src(%arg11 : memref<80x128xf32, #tpu.memory_space<vmem>>) dst(%dma_wait3A_70 : memref<10000x128xf32, #tpu.memory_space<vmem_shared>>)
        %add3A_71 = arith.constant 1 : i32
        %add3A_72 = arith.addi %add3A_51, %add3A_71 : i32
        %mul3A_73 = arith.constant 80 : i32
        %mul3A_74 = arith.muli %add3A_72, %mul3A_73 : i32
        %dma_start3A_75 = tpu.memref_slice %arg9[%mul3A_74] : memref<10080xi32, #tpu.memory_space<vmem>> -> memref<80xi32, #tpu.memory_space<vmem>>
        %dma_start3A_76 = arith.constant 0 : i32
        %dma_start3A_77 = arith.constant 0 : i32
        %dma_start3A_78 = tpu.memref_slice %arg3[%dma_start3A_76, %dma_start3A_77] : memref<10000x128xf32, #tpu.memory_space<hbm>> -> memref<10000x128xf32, #tpu.memory_space<hbm>>
        tpu.enqueue_indirect_dma source(%dma_start3A_78 : memref<10000x128xf32, #tpu.memory_space<hbm>>) target(%arg11 : memref<80x128xf32, #tpu.memory_space<vmem>>) offsets(%dma_start3A_75 : memref<80xi32, #tpu.memory_space<vmem>>) semaphore(%arg14 : memref<!tpu.dma_semaphore, #tpu.memory_space<semaphore_mem>>)
        %add3A_79 = arith.constant 1 : i32
        %add3A_80 = arith.addi %add3A_51, %add3A_79 : i32
        %mul3A_81 = arith.constant 80 : i32
        %mul3A_82 = arith.muli %add3A_80, %mul3A_81 : i32
        %dma_wait3A_83 = tpu.memref_slice %arg9[%mul3A_82] : memref<10080xi32, #tpu.memory_space<vmem>> -> memref<80xi32, #tpu.memory_space<vmem>>
        %dma_wait3A_84 = arith.constant 0 : i32
        %dma_wait3A_85 = arith.constant 0 : i32
        %dma_wait3A_86 = tpu.memref_slice %arg3[%dma_wait3A_84, %dma_wait3A_85] : memref<10000x128xf32, #tpu.memory_space<hbm>> -> memref<10000x128xf32, #tpu.memory_space<hbm>>
        tpu.wait_indirect_dma semaphore(%arg14 : memref<!tpu.dma_semaphore, #tpu.memory_space<semaphore_mem>>) src(%dma_wait3A_86 : memref<10000x128xf32, #tpu.memory_space<hbm>>) dst(%arg11 : memref<80x128xf32, #tpu.memory_space<vmem>>)
        %add3A_87 = arith.constant 1 : i32
        %add3A_88 = arith.addi %add3A_51, %add3A_87 : i32
        %dma_start3A_89 = arith.constant 0 : i32
        %dma_start3A_90 = tpu.memref_slice %arg10[%add3A_88, %dma_start3A_89] : memref<125x80xi32, #tpu.memory_space<vmem>> -> memref<1x80xi32, #tpu.memory_space<vmem>>
        %dma_start3A_91 = tpu.memref_squeeze %dma_start3A_90 : memref<1x80xi32, #tpu.memory_space<vmem>> -> memref<80xi32, #tpu.memory_space<vmem>>
        %dma_start3A_92 = arith.constant 0 : i32
        %dma_start3A_93 = arith.constant 0 : i32
        %dma_start3A_94 = tpu.memref_slice %arg13[%dma_start3A_92, %dma_start3A_93] : memref<10000x128xf32, #tpu.memory_space<vmem_shared>> -> memref<10000x128xf32, #tpu.memory_space<vmem_shared>>
        tpu.enqueue_indirect_dma source(%arg11 : memref<80x128xf32, #tpu.memory_space<vmem>>) target(%dma_start3A_94 : memref<10000x128xf32, #tpu.memory_space<vmem_shared>>) offsets(%dma_start3A_91 : memref<80xi32, #tpu.memory_space<vmem>>) semaphore(%arg16 : memref<!tpu.dma_semaphore, #tpu.memory_space<semaphore_mem>>) {add = true}
        %dma_wait3A_95 = arith.constant 0 : i32
        %dma_wait3A_96 = tpu.memref_slice %arg10[%add3A_51, %dma_wait3A_95] : memref<125x80xi32, #tpu.memory_space<vmem>> -> memref<1x80xi32, #tpu.memory_space<vmem>>
        %dma_wait3A_97 = tpu.memref_squeeze %dma_wait3A_96 : memref<1x80xi32, #tpu.memory_space<vmem>> -> memref<80xi32, #tpu.memory_space<vmem>>
        %dma_wait3A_98 = arith.constant 0 : i32
        %dma_wait3A_99 = arith.constant 0 : i32
        %dma_wait3A_100 = tpu.memref_slice %arg13[%dma_wait3A_98, %dma_wait3A_99] : memref<10000x128xf32, #tpu.memory_space<vmem_shared>> -> memref<10000x128xf32, #tpu.memory_space<vmem_shared>>
        tpu.wait_indirect_dma semaphore(%arg17 : memref<!tpu.dma_semaphore, #tpu.memory_space<semaphore_mem>>) src(%arg12 : memref<80x128xf32, #tpu.memory_space<vmem>>) dst(%dma_wait3A_100 : memref<10000x128xf32, #tpu.memory_space<vmem_shared>>)
        %add3A_101 = arith.constant 2 : i32
        %add3A_102 = arith.addi %add3A_51, %add3A_101 : i32
        %mul3A_103 = arith.constant 80 : i32
        %mul3A_104 = arith.muli %add3A_102, %mul3A_103 : i32
        %dma_start3A_105 = tpu.memref_slice %arg9[%mul3A_104] : memref<10080xi32, #tpu.memory_space<vmem>> -> memref<80xi32, #tpu.memory_space<vmem>>
        %dma_start3A_106 = arith.constant 0 : i32
        %dma_start3A_107 = arith.constant 0 : i32
        %dma_start3A_108 = tpu.memref_slice %arg3[%dma_start3A_106, %dma_start3A_107] : memref<10000x128xf32, #tpu.memory_space<hbm>> -> memref<10000x128xf32, #tpu.memory_space<hbm>>
        tpu.enqueue_indirect_dma source(%dma_start3A_108 : memref<10000x128xf32, #tpu.memory_space<hbm>>) target(%arg12 : memref<80x128xf32, #tpu.memory_space<vmem>>) offsets(%dma_start3A_105 : memref<80xi32, #tpu.memory_space<vmem>>) semaphore(%arg15 : memref<!tpu.dma_semaphore, #tpu.memory_space<semaphore_mem>>)
      }
      %scan3A_32 = arith.constant 62 : i32
      %dma_wait3A_33 = arith.constant 124 : i32
      %dma_wait3A_34 = arith.constant 0 : i32
      %dma_wait3A_35 = tpu.memref_slice %arg10[%dma_wait3A_33, %dma_wait3A_34] : memref<125x80xi32, #tpu.memory_space<vmem>> -> memref<1x80xi32, #tpu.memory_space<vmem>>
      %dma_wait3A_36 = tpu.memref_squeeze %dma_wait3A_35 : memref<1x80xi32, #tpu.memory_space<vmem>> -> memref<80xi32, #tpu.memory_space<vmem>>
      %dma_wait3A_37 = arith.constant 0 : i32
      %dma_wait3A_38 = arith.constant 0 : i32
      %dma_wait3A_39 = tpu.memref_slice %arg13[%dma_wait3A_37, %dma_wait3A_38] : memref<10000x128xf32, #tpu.memory_space<vmem_shared>> -> memref<10000x128xf32, #tpu.memory_space<vmem_shared>>
      tpu.wait_indirect_dma semaphore(%arg16 : memref<!tpu.dma_semaphore, #tpu.memory_space<semaphore_mem>>) src(%arg11 : memref<80x128xf32, #tpu.memory_space<vmem>>) dst(%dma_wait3A_39 : memref<10000x128xf32, #tpu.memory_space<vmem_shared>>)
      %dma_wait3A_40 = arith.constant 10000 : i32
      %dma_wait3A_41 = tpu.memref_slice %arg9[%dma_wait3A_40] : memref<10080xi32, #tpu.memory_space<vmem>> -> memref<80xi32, #tpu.memory_space<vmem>>
      %dma_wait3A_42 = arith.constant 0 : i32
      %dma_wait3A_43 = arith.constant 0 : i32
      %dma_wait3A_44 = tpu.memref_slice %arg3[%dma_wait3A_42, %dma_wait3A_43] : memref<10000x128xf32, #tpu.memory_space<hbm>> -> memref<10000x128xf32, #tpu.memory_space<hbm>>
      tpu.wait_indirect_dma semaphore(%arg15 : memref<!tpu.dma_semaphore, #tpu.memory_space<semaphore_mem>>) src(%dma_wait3A_44 : memref<10000x128xf32, #tpu.memory_space<hbm>>) dst(%arg12 : memref<80x128xf32, #tpu.memory_space<vmem>>)
      %barrier3A_45 = arith.constant 0 : index
      tpu.barrier barrier_id(%barrier3A_45)
      %mul3A_46 = arith.constant 625 : i32
      %mul3A_47 = arith.muli %arg1, %mul3A_46 : i32
      "tpu.region"() ({
        %run_scoped3A = tpu.sem_alloc : memref<!tpu.dma_semaphore, #tpu.memory_space<semaphore_mem>>
        %dma_start3A_48 = arith.constant 0 : i32
        %dma_start3A_49 = arith.constant 0 : i32
        %dma_start3A_50 = tpu.memref_slice %arg8[%arg1, %dma_start3A_48, %dma_start3A_49] : memref<16x625x128xf32, #tpu.memory_space<hbm>> -> memref<1x625x128xf32, #tpu.memory_space<hbm>>
        %dma_start3A_51 = tpu.memref_squeeze %dma_start3A_50 : memref<1x625x128xf32, #tpu.memory_space<hbm>> -> memref<625x128xf32, #tpu.memory_space<hbm>>
        %dma_start3A_52 = arith.constant 0 : i32
        %dma_start3A_53 = tpu.memref_slice %arg13[%mul3A_47, %dma_start3A_52] : memref<10000x128xf32, #tpu.memory_space<vmem_shared>> -> memref<625x128xf32, #tpu.memory_space<vmem_shared>>
        tpu.enqueue_dma source(%dma_start3A_53 : memref<625x128xf32, #tpu.memory_space<vmem_shared>>) target(%dma_start3A_51 : memref<625x128xf32, #tpu.memory_space<hbm>>) target_semaphore(%run_scoped3A : memref<!tpu.dma_semaphore, #tpu.memory_space<semaphore_mem>>)
        %dma_wait3A_54 = arith.constant 0 : i32
        %dma_wait3A_55 = arith.constant 0 : i32
        %dma_wait3A_56 = tpu.memref_slice %arg8[%arg1, %dma_wait3A_54, %dma_wait3A_55] : memref<16x625x128xf32, #tpu.memory_space<hbm>> -> memref<1x625x128xf32, #tpu.memory_space<hbm>>
        %dma_wait3A_57 = tpu.memref_squeeze %dma_wait3A_56 : memref<1x625x128xf32, #tpu.memory_space<hbm>> -> memref<625x128xf32, #tpu.memory_space<hbm>>
        %dma_wait3A_58 = arith.constant 0 : i32
        %dma_wait3A_59 = tpu.memref_slice %arg13[%mul3A_47, %dma_wait3A_58] : memref<10000x128xf32, #tpu.memory_space<vmem_shared>> -> memref<625x128xf32, #tpu.memory_space<vmem_shared>>
        tpu.wait_dma2 semaphore(%run_scoped3A : memref<!tpu.dma_semaphore, #tpu.memory_space<semaphore_mem>>) src(%dma_wait3A_59 : memref<625x128xf32, #tpu.memory_space<vmem_shared>>) dst(%dma_wait3A_57 : memref<625x128xf32, #tpu.memory_space<hbm>>)
        tpu.yield
      }) : () -> ()
    } else {
    }
    return
  }
}

#map = affine_map<(d0, d1) -> (0, 0, 0)>
#map1 = affine_map<(d0, d1) -> (0, 0)>
#map2 = affine_map<(d0, d1) -> (0, 0, 0, 0)>
module attributes {stable_mosaic.version = 14 : i64} {
  func.func @_deg_body(%arg0: i32, %arg1: i32, %arg2: memref<32x40x125xi32, #tpu.memory_space<hbm>>, %arg3: memref<125x128xf32, #tpu.memory_space<hbm>>, %arg4: memref<625x128xf32, #tpu.memory_space<hbm>>, %arg5: memref<2x16x625x128xf32, #tpu.memory_space<hbm>>, %arg6: memref<125x128xf32, #tpu.memory_space<vmem>>, %arg7: memref<40x125xi32, #tpu.memory_space<vmem>>, %arg8: memref<10000x128xf32, #tpu.memory_space<vmem_shared>>) attributes {dimension_semantics = [#tpu.dimension_semantics<core_parallel>, #tpu.dimension_semantics<subcore_parallel>], iteration_bounds = array<i64: 2, 16>, scalar_prefetch = 0 : i64, scratch_operands = 3 : i64, tpu.core_type = #tpu.core_type<sc_vector_subcore>, window_params = [{transform_indices = #map}, {transform_indices = #map1}, {transform_indices = #map1}, {transform_indices = #map2}]} {
    "tpu.region"() ({
      %run_scoped3A = tpu.sem_alloc : memref<!tpu.dma_semaphore, #tpu.memory_space<semaphore_mem>>
      tpu.enqueue_dma source(%arg3 : memref<125x128xf32, #tpu.memory_space<hbm>>) target(%arg6 : memref<125x128xf32, #tpu.memory_space<vmem>>) target_semaphore(%run_scoped3A : memref<!tpu.dma_semaphore, #tpu.memory_space<semaphore_mem>>)
      tpu.wait_dma2 semaphore(%run_scoped3A : memref<!tpu.dma_semaphore, #tpu.memory_space<semaphore_mem>>) src(%arg3 : memref<125x128xf32, #tpu.memory_space<hbm>>) dst(%arg6 : memref<125x128xf32, #tpu.memory_space<vmem>>)
      tpu.yield
    }) : () -> ()
    %mul3A = arith.constant 16 : i32
    %mul3A_0 = arith.muli %arg0, %mul3A : i32
    %add3A = arith.addi %mul3A_0, %arg1 : i32
    "tpu.region"() ({
      %run_scoped3A = tpu.sem_alloc : memref<!tpu.dma_semaphore, #tpu.memory_space<semaphore_mem>>
      %dma_start3A = arith.constant 0 : i32
      %dma_start3A_11 = arith.constant 0 : i32
      %dma_start3A_12 = tpu.memref_slice %arg2[%add3A, %dma_start3A, %dma_start3A_11] : memref<32x40x125xi32, #tpu.memory_space<hbm>> -> memref<1x40x125xi32, #tpu.memory_space<hbm>>
      %dma_start3A_13 = tpu.memref_squeeze %dma_start3A_12 : memref<1x40x125xi32, #tpu.memory_space<hbm>> -> memref<40x125xi32, #tpu.memory_space<hbm>>
      %dma_start3A_14 = arith.constant 0 : i32
      %dma_start3A_15 = arith.constant 0 : i32
      %dma_start3A_16 = tpu.memref_slice %arg2[%add3A, %dma_start3A_14, %dma_start3A_15] : memref<32x40x125xi32, #tpu.memory_space<hbm>> -> memref<1x40x125xi32, #tpu.memory_space<hbm>>
      %dma_start3A_17 = tpu.memref_squeeze %dma_start3A_16 : memref<1x40x125xi32, #tpu.memory_space<hbm>> -> memref<40x125xi32, #tpu.memory_space<hbm>>
      tpu.enqueue_dma source(%dma_start3A_17 : memref<40x125xi32, #tpu.memory_space<hbm>>) target(%arg7 : memref<40x125xi32, #tpu.memory_space<vmem>>) target_semaphore(%run_scoped3A : memref<!tpu.dma_semaphore, #tpu.memory_space<semaphore_mem>>)
      %dma_wait3A = arith.constant 0 : i32
      %dma_wait3A_18 = arith.constant 0 : i32
      %dma_wait3A_19 = tpu.memref_slice %arg2[%add3A, %dma_wait3A, %dma_wait3A_18] : memref<32x40x125xi32, #tpu.memory_space<hbm>> -> memref<1x40x125xi32, #tpu.memory_space<hbm>>
      %dma_wait3A_20 = tpu.memref_squeeze %dma_wait3A_19 : memref<1x40x125xi32, #tpu.memory_space<hbm>> -> memref<40x125xi32, #tpu.memory_space<hbm>>
      %dma_wait3A_21 = arith.constant 0 : i32
      %dma_wait3A_22 = arith.constant 0 : i32
      %dma_wait3A_23 = tpu.memref_slice %arg2[%add3A, %dma_wait3A_21, %dma_wait3A_22] : memref<32x40x125xi32, #tpu.memory_space<hbm>> -> memref<1x40x125xi32, #tpu.memory_space<hbm>>
      %dma_wait3A_24 = tpu.memref_squeeze %dma_wait3A_23 : memref<1x40x125xi32, #tpu.memory_space<hbm>> -> memref<40x125xi32, #tpu.memory_space<hbm>>
      tpu.wait_dma2 semaphore(%run_scoped3A : memref<!tpu.dma_semaphore, #tpu.memory_space<semaphore_mem>>) src(%dma_wait3A_24 : memref<40x125xi32, #tpu.memory_space<hbm>>) dst(%arg7 : memref<40x125xi32, #tpu.memory_space<vmem>>)
      tpu.yield
    }) : () -> ()
    %mul3A_1 = arith.constant 625 : i32
    %mul3A_2 = arith.muli %arg1, %mul3A_1 : i32
    "tpu.region"() ({
      %run_scoped3A = tpu.sem_alloc : memref<!tpu.dma_semaphore, #tpu.memory_space<semaphore_mem>>
      %dma_start3A = arith.constant 0 : i32
      %dma_start3A_11 = tpu.memref_slice %arg8[%mul3A_2, %dma_start3A] : memref<10000x128xf32, #tpu.memory_space<vmem_shared>> -> memref<625x128xf32, #tpu.memory_space<vmem_shared>>
      tpu.enqueue_dma source(%arg4 : memref<625x128xf32, #tpu.memory_space<hbm>>) target(%dma_start3A_11 : memref<625x128xf32, #tpu.memory_space<vmem_shared>>) target_semaphore(%run_scoped3A : memref<!tpu.dma_semaphore, #tpu.memory_space<semaphore_mem>>)
      %dma_wait3A = arith.constant 0 : i32
      %dma_wait3A_12 = tpu.memref_slice %arg8[%mul3A_2, %dma_wait3A] : memref<10000x128xf32, #tpu.memory_space<vmem_shared>> -> memref<625x128xf32, #tpu.memory_space<vmem_shared>>
      tpu.wait_dma2 semaphore(%run_scoped3A : memref<!tpu.dma_semaphore, #tpu.memory_space<semaphore_mem>>) src(%arg4 : memref<625x128xf32, #tpu.memory_space<hbm>>) dst(%dma_wait3A_12 : memref<625x128xf32, #tpu.memory_space<vmem_shared>>)
      tpu.yield
    }) : () -> ()
    %barrier3A = arith.constant 0 : index
    tpu.barrier barrier_id(%barrier3A)
    %scan3A = arith.constant 0 : i32
    %scan3A_3 = arith.constant 0 : i32
    %scan3A_4 = arith.constant 40 : i32
    %scan3A_5 = arith.addi %scan3A_3, %scan3A_4 : i32
    %scan3A_6 = arith.constant 1 : i32
    scf.for %scan3A_11 = %scan3A_3 to %scan3A_5 step %scan3A_6  : i32 {
      "tpu.region"() ({
        %run_scoped3A = tpu.sem_alloc : memref<!tpu.dma_semaphore, #tpu.memory_space<semaphore_mem>>
        %dma_start3A = arith.constant 0 : i32
        %dma_start3A_12 = tpu.memref_slice %arg7[%scan3A_11, %dma_start3A] : memref<40x125xi32, #tpu.memory_space<vmem>> -> memref<1x125xi32, #tpu.memory_space<vmem>>
        %dma_start3A_13 = tpu.memref_squeeze %dma_start3A_12 : memref<1x125xi32, #tpu.memory_space<vmem>> -> memref<125xi32, #tpu.memory_space<vmem>>
        %dma_start3A_14 = arith.constant 0 : i32
        %dma_start3A_15 = arith.constant 0 : i32
        %dma_start3A_16 = tpu.memref_slice %arg8[%dma_start3A_14, %dma_start3A_15] : memref<10000x128xf32, #tpu.memory_space<vmem_shared>> -> memref<10000x128xf32, #tpu.memory_space<vmem_shared>>
        tpu.enqueue_indirect_dma source(%arg6 : memref<125x128xf32, #tpu.memory_space<vmem>>) target(%dma_start3A_16 : memref<10000x128xf32, #tpu.memory_space<vmem_shared>>) offsets(%dma_start3A_13 : memref<125xi32, #tpu.memory_space<vmem>>) semaphore(%run_scoped3A : memref<!tpu.dma_semaphore, #tpu.memory_space<semaphore_mem>>) {add = true}
        %dma_wait3A = arith.constant 0 : i32
        %dma_wait3A_17 = tpu.memref_slice %arg7[%scan3A_11, %dma_wait3A] : memref<40x125xi32, #tpu.memory_space<vmem>> -> memref<1x125xi32, #tpu.memory_space<vmem>>
        %dma_wait3A_18 = tpu.memref_squeeze %dma_wait3A_17 : memref<1x125xi32, #tpu.memory_space<vmem>> -> memref<125xi32, #tpu.memory_space<vmem>>
        %dma_wait3A_19 = arith.constant 0 : i32
        %dma_wait3A_20 = arith.constant 0 : i32
        %dma_wait3A_21 = tpu.memref_slice %arg8[%dma_wait3A_19, %dma_wait3A_20] : memref<10000x128xf32, #tpu.memory_space<vmem_shared>> -> memref<10000x128xf32, #tpu.memory_space<vmem_shared>>
        tpu.wait_indirect_dma semaphore(%run_scoped3A : memref<!tpu.dma_semaphore, #tpu.memory_space<semaphore_mem>>) src(%arg6 : memref<125x128xf32, #tpu.memory_space<vmem>>) dst(%dma_wait3A_21 : memref<10000x128xf32, #tpu.memory_space<vmem_shared>>)
        tpu.yield
      }) : () -> ()
    }
    %scan3A_7 = arith.constant 40 : i32
    %barrier3A_8 = arith.constant 0 : index
    tpu.barrier barrier_id(%barrier3A_8)
    %mul3A_9 = arith.constant 625 : i32
    %mul3A_10 = arith.muli %arg1, %mul3A_9 : i32
    "tpu.region"() ({
      %run_scoped3A = tpu.sem_alloc : memref<!tpu.dma_semaphore, #tpu.memory_space<semaphore_mem>>
      %dma_start3A = arith.constant 0 : i32
      %dma_start3A_11 = arith.constant 0 : i32
      %dma_start3A_12 = tpu.memref_slice %arg5[%arg0, %arg1, %dma_start3A, %dma_start3A_11] : memref<2x16x625x128xf32, #tpu.memory_space<hbm>> -> memref<1x1x625x128xf32, #tpu.memory_space<hbm>>
      %dma_start3A_13 = tpu.memref_squeeze %dma_start3A_12 : memref<1x1x625x128xf32, #tpu.memory_space<hbm>> -> memref<625x128xf32, #tpu.memory_space<hbm>>
      %dma_start3A_14 = arith.constant 0 : i32
      %dma_start3A_15 = tpu.memref_slice %arg8[%mul3A_10, %dma_start3A_14] : memref<10000x128xf32, #tpu.memory_space<vmem_shared>> -> memref<625x128xf32, #tpu.memory_space<vmem_shared>>
      tpu.enqueue_dma source(%dma_start3A_15 : memref<625x128xf32, #tpu.memory_space<vmem_shared>>) target(%dma_start3A_13 : memref<625x128xf32, #tpu.memory_space<hbm>>) target_semaphore(%run_scoped3A : memref<!tpu.dma_semaphore, #tpu.memory_space<semaphore_mem>>)
      %dma_wait3A = arith.constant 0 : i32
      %dma_wait3A_16 = arith.constant 0 : i32
      %dma_wait3A_17 = tpu.memref_slice %arg5[%arg0, %arg1, %dma_wait3A, %dma_wait3A_16] : memref<2x16x625x128xf32, #tpu.memory_space<hbm>> -> memref<1x1x625x128xf32, #tpu.memory_space<hbm>>
      %dma_wait3A_18 = tpu.memref_squeeze %dma_wait3A_17 : memref<1x1x625x128xf32, #tpu.memory_space<hbm>> -> memref<625x128xf32, #tpu.memory_space<hbm>>
      %dma_wait3A_19 = arith.constant 0 : i32
      %dma_wait3A_20 = tpu.memref_slice %arg8[%mul3A_10, %dma_wait3A_19] : memref<10000x128xf32, #tpu.memory_space<vmem_shared>> -> memref<625x128xf32, #tpu.memory_space<vmem_shared>>
      tpu.wait_dma2 semaphore(%run_scoped3A : memref<!tpu.dma_semaphore, #tpu.memory_space<semaphore_mem>>) src(%dma_wait3A_20 : memref<625x128xf32, #tpu.memory_space<vmem_shared>>) dst(%dma_wait3A_18 : memref<625x128xf32, #tpu.memory_space<hbm>>)
      tpu.yield
    }) : () -> ()
    return
  }
}

#map = affine_map<(d0, d1) -> (0, 0)>
#map1 = affine_map<(d0, d1) -> (0, 0, 0)>
module attributes {stable_mosaic.version = 14 : i64} {
  func.func @_edge_body(%arg0: i32, %arg1: i32, %arg2: memref<10000x128xf32, #tpu.memory_space<hbm>>, %arg3: memref<10000x128xf32, #tpu.memory_space<hbm>>, %arg4: memref<16x10080xi32, #tpu.memory_space<hbm>>, %arg5: memref<16x125x80xi32, #tpu.memory_space<hbm>>, %arg6: memref<625x128xf32, #tpu.memory_space<hbm>>, %arg7: memref<16x625x128xf32, #tpu.memory_space<hbm>>, %arg8: memref<16x625x128xf32, #tpu.memory_space<hbm>>, %arg9: memref<10080xi32, #tpu.memory_space<vmem>>, %arg10: memref<125x80xi32, #tpu.memory_space<vmem>>, %arg11: memref<80x128xf32, #tpu.memory_space<vmem>>, %arg12: memref<80x128xf32, #tpu.memory_space<vmem>>, %arg13: memref<10000x128xf32, #tpu.memory_space<vmem_shared>>, %arg14: memref<!tpu.dma_semaphore, #tpu.memory_space<semaphore_mem>>, %arg15: memref<!tpu.dma_semaphore, #tpu.memory_space<semaphore_mem>>, %arg16: memref<!tpu.dma_semaphore, #tpu.memory_space<semaphore_mem>>, %arg17: memref<!tpu.dma_semaphore, #tpu.memory_space<semaphore_mem>>) attributes {dimension_semantics = [#tpu.dimension_semantics<core_parallel>, #tpu.dimension_semantics<subcore_parallel>], iteration_bounds = array<i64: 2, 16>, scalar_prefetch = 0 : i64, scratch_operands = 9 : i64, tpu.core_type = #tpu.core_type<sc_vector_subcore>, window_params = [{transform_indices = #map}, {transform_indices = #map}, {transform_indices = #map}, {transform_indices = #map1}, {transform_indices = #map}, {transform_indices = #map1}, {transform_indices = #map1}]} {
    "tpu.region"() ({
      %run_scoped3A = tpu.sem_alloc : memref<!tpu.dma_semaphore, #tpu.memory_space<semaphore_mem>>
      %dma_start3A = arith.constant 0 : i32
      %dma_start3A_7 = tpu.memref_slice %arg4[%arg1, %dma_start3A] : memref<16x10080xi32, #tpu.memory_space<hbm>> -> memref<1x10080xi32, #tpu.memory_space<hbm>>
      %dma_start3A_8 = tpu.memref_squeeze %dma_start3A_7 : memref<1x10080xi32, #tpu.memory_space<hbm>> -> memref<10080xi32, #tpu.memory_space<hbm>>
      %dma_start3A_9 = arith.constant 0 : i32
      %dma_start3A_10 = tpu.memref_slice %arg4[%arg1, %dma_start3A_9] : memref<16x10080xi32, #tpu.memory_space<hbm>> -> memref<1x10080xi32, #tpu.memory_space<hbm>>
      %dma_start3A_11 = tpu.memref_squeeze %dma_start3A_10 : memref<1x10080xi32, #tpu.memory_space<hbm>> -> memref<10080xi32, #tpu.memory_space<hbm>>
      tpu.enqueue_dma source(%dma_start3A_11 : memref<10080xi32, #tpu.memory_space<hbm>>) target(%arg9 : memref<10080xi32, #tpu.memory_space<vmem>>) target_semaphore(%run_scoped3A : memref<!tpu.dma_semaphore, #tpu.memory_space<semaphore_mem>>)
      %dma_wait3A = arith.constant 0 : i32
      %dma_wait3A_12 = tpu.memref_slice %arg4[%arg1, %dma_wait3A] : memref<16x10080xi32, #tpu.memory_space<hbm>> -> memref<1x10080xi32, #tpu.memory_space<hbm>>
      %dma_wait3A_13 = tpu.memref_squeeze %dma_wait3A_12 : memref<1x10080xi32, #tpu.memory_space<hbm>> -> memref<10080xi32, #tpu.memory_space<hbm>>
      %dma_wait3A_14 = arith.constant 0 : i32
      %dma_wait3A_15 = tpu.memref_slice %arg4[%arg1, %dma_wait3A_14] : memref<16x10080xi32, #tpu.memory_space<hbm>> -> memref<1x10080xi32, #tpu.memory_space<hbm>>
      %dma_wait3A_16 = tpu.memref_squeeze %dma_wait3A_15 : memref<1x10080xi32, #tpu.memory_space<hbm>> -> memref<10080xi32, #tpu.memory_space<hbm>>
      tpu.wait_dma2 semaphore(%run_scoped3A : memref<!tpu.dma_semaphore, #tpu.memory_space<semaphore_mem>>) src(%dma_wait3A_16 : memref<10080xi32, #tpu.memory_space<hbm>>) dst(%arg9 : memref<10080xi32, #tpu.memory_space<vmem>>)
      tpu.yield
    }) : () -> ()
    "tpu.region"() ({
      %run_scoped3A = tpu.sem_alloc : memref<!tpu.dma_semaphore, #tpu.memory_space<semaphore_mem>>
      %dma_start3A = arith.constant 0 : i32
      %dma_start3A_7 = arith.constant 0 : i32
      %dma_start3A_8 = tpu.memref_slice %arg5[%arg1, %dma_start3A, %dma_start3A_7] : memref<16x125x80xi32, #tpu.memory_space<hbm>> -> memref<1x125x80xi32, #tpu.memory_space<hbm>>
      %dma_start3A_9 = tpu.memref_squeeze %dma_start3A_8 : memref<1x125x80xi32, #tpu.memory_space<hbm>> -> memref<125x80xi32, #tpu.memory_space<hbm>>
      %dma_start3A_10 = arith.constant 0 : i32
      %dma_start3A_11 = arith.constant 0 : i32
      %dma_start3A_12 = tpu.memref_slice %arg5[%arg1, %dma_start3A_10, %dma_start3A_11] : memref<16x125x80xi32, #tpu.memory_space<hbm>> -> memref<1x125x80xi32, #tpu.memory_space<hbm>>
      %dma_start3A_13 = tpu.memref_squeeze %dma_start3A_12 : memref<1x125x80xi32, #tpu.memory_space<hbm>> -> memref<125x80xi32, #tpu.memory_space<hbm>>
      tpu.enqueue_dma source(%dma_start3A_13 : memref<125x80xi32, #tpu.memory_space<hbm>>) target(%arg10 : memref<125x80xi32, #tpu.memory_space<vmem>>) target_semaphore(%run_scoped3A : memref<!tpu.dma_semaphore, #tpu.memory_space<semaphore_mem>>)
      %dma_wait3A = arith.constant 0 : i32
      %dma_wait3A_14 = arith.constant 0 : i32
      %dma_wait3A_15 = tpu.memref_slice %arg5[%arg1, %dma_wait3A, %dma_wait3A_14] : memref<16x125x80xi32, #tpu.memory_space<hbm>> -> memref<1x125x80xi32, #tpu.memory_space<hbm>>
      %dma_wait3A_16 = tpu.memref_squeeze %dma_wait3A_15 : memref<1x125x80xi32, #tpu.memory_space<hbm>> -> memref<125x80xi32, #tpu.memory_space<hbm>>
      %dma_wait3A_17 = arith.constant 0 : i32
      %dma_wait3A_18 = arith.constant 0 : i32
      %dma_wait3A_19 = tpu.memref_slice %arg5[%arg1, %dma_wait3A_17, %dma_wait3A_18] : memref<16x125x80xi32, #tpu.memory_space<hbm>> -> memref<1x125x80xi32, #tpu.memory_space<hbm>>
      %dma_wait3A_20 = tpu.memref_squeeze %dma_wait3A_19 : memref<1x125x80xi32, #tpu.memory_space<hbm>> -> memref<125x80xi32, #tpu.memory_space<hbm>>
      tpu.wait_dma2 semaphore(%run_scoped3A : memref<!tpu.dma_semaphore, #tpu.memory_space<semaphore_mem>>) src(%dma_wait3A_20 : memref<125x80xi32, #tpu.memory_space<hbm>>) dst(%arg10 : memref<125x80xi32, #tpu.memory_space<vmem>>)
      tpu.yield
    }) : () -> ()
    %eq3A = arith.constant 0 : i32
    %eq3A_0 = arith.cmpi eq, %arg0, %eq3A : i32
    %convert_element_type3A = arith.extui %eq3A_0 : i1 to i32
    %cond3A = arith.constant 0 : i32
    %cond3A_1 = arith.cmpi ne, %convert_element_type3A, %cond3A : i32
    scf.if %cond3A_1 {
      %mul3A = arith.constant 625 : i32
      %mul3A_7 = arith.muli %arg1, %mul3A : i32
      "tpu.region"() ({
        %run_scoped3A = tpu.sem_alloc : memref<!tpu.dma_semaphore, #tpu.memory_space<semaphore_mem>>
        %dma_start3A_48 = arith.constant 0 : i32
        %dma_start3A_49 = tpu.memref_slice %arg13[%mul3A_7, %dma_start3A_48] : memref<10000x128xf32, #tpu.memory_space<vmem_shared>> -> memref<625x128xf32, #tpu.memory_space<vmem_shared>>
        tpu.enqueue_dma source(%arg6 : memref<625x128xf32, #tpu.memory_space<hbm>>) target(%dma_start3A_49 : memref<625x128xf32, #tpu.memory_space<vmem_shared>>) target_semaphore(%run_scoped3A : memref<!tpu.dma_semaphore, #tpu.memory_space<semaphore_mem>>)
        %dma_wait3A_50 = arith.constant 0 : i32
        %dma_wait3A_51 = tpu.memref_slice %arg13[%mul3A_7, %dma_wait3A_50] : memref<10000x128xf32, #tpu.memory_space<vmem_shared>> -> memref<625x128xf32, #tpu.memory_space<vmem_shared>>
        tpu.wait_dma2 semaphore(%run_scoped3A : memref<!tpu.dma_semaphore, #tpu.memory_space<semaphore_mem>>) src(%arg6 : memref<625x128xf32, #tpu.memory_space<hbm>>) dst(%dma_wait3A_51 : memref<625x128xf32, #tpu.memory_space<vmem_shared>>)
        tpu.yield
      }) : () -> ()
      %barrier3A = arith.constant 0 : index
      tpu.barrier barrier_id(%barrier3A)
      %dma_start3A = arith.constant 0 : i32
      %dma_start3A_8 = tpu.memref_slice %arg9[%dma_start3A] : memref<10080xi32, #tpu.memory_space<vmem>> -> memref<80xi32, #tpu.memory_space<vmem>>
      %dma_start3A_9 = arith.constant 0 : i32
      %dma_start3A_10 = arith.constant 0 : i32
      %dma_start3A_11 = tpu.memref_slice %arg2[%dma_start3A_9, %dma_start3A_10] : memref<10000x128xf32, #tpu.memory_space<hbm>> -> memref<10000x128xf32, #tpu.memory_space<hbm>>
      tpu.enqueue_indirect_dma source(%dma_start3A_11 : memref<10000x128xf32, #tpu.memory_space<hbm>>) target(%arg11 : memref<80x128xf32, #tpu.memory_space<vmem>>) offsets(%dma_start3A_8 : memref<80xi32, #tpu.memory_space<vmem>>) semaphore(%arg14 : memref<!tpu.dma_semaphore, #tpu.memory_space<semaphore_mem>>)
      %dma_wait3A = arith.constant 0 : i32
      %dma_wait3A_12 = tpu.memref_slice %arg9[%dma_wait3A] : memref<10080xi32, #tpu.memory_space<vmem>> -> memref<80xi32, #tpu.memory_space<vmem>>
      %dma_wait3A_13 = arith.constant 0 : i32
      %dma_wait3A_14 = arith.constant 0 : i32
      %dma_wait3A_15 = tpu.memref_slice %arg2[%dma_wait3A_13, %dma_wait3A_14] : memref<10000x128xf32, #tpu.memory_space<hbm>> -> memref<10000x128xf32, #tpu.memory_space<hbm>>
      tpu.wait_indirect_dma semaphore(%arg14 : memref<!tpu.dma_semaphore, #tpu.memory_space<semaphore_mem>>) src(%dma_wait3A_15 : memref<10000x128xf32, #tpu.memory_space<hbm>>) dst(%arg11 : memref<80x128xf32, #tpu.memory_space<vmem>>)
      %dma_start3A_16 = arith.constant 80 : i32
      %dma_start3A_17 = tpu.memref_slice %arg9[%dma_start3A_16] : memref<10080xi32, #tpu.memory_space<vmem>> -> memref<80xi32, #tpu.memory_space<vmem>>
      %dma_start3A_18 = arith.constant 0 : i32
      %dma_start3A_19 = arith.constant 0 : i32
      %dma_start3A_20 = tpu.memref_slice %arg2[%dma_start3A_18, %dma_start3A_19] : memref<10000x128xf32, #tpu.memory_space<hbm>> -> memref<10000x128xf32, #tpu.memory_space<hbm>>
      tpu.enqueue_indirect_dma source(%dma_start3A_20 : memref<10000x128xf32, #tpu.memory_space<hbm>>) target(%arg12 : memref<80x128xf32, #tpu.memory_space<vmem>>) offsets(%dma_start3A_17 : memref<80xi32, #tpu.memory_space<vmem>>) semaphore(%arg15 : memref<!tpu.dma_semaphore, #tpu.memory_space<semaphore_mem>>)
      %dma_start3A_21 = arith.constant 0 : i32
      %dma_start3A_22 = arith.constant 0 : i32
      %dma_start3A_23 = tpu.memref_slice %arg10[%dma_start3A_21, %dma_start3A_22] : memref<125x80xi32, #tpu.memory_space<vmem>> -> memref<1x80xi32, #tpu.memory_space<vmem>>
      %dma_start3A_24 = tpu.memref_squeeze %dma_start3A_23 : memref<1x80xi32, #tpu.memory_space<vmem>> -> memref<80xi32, #tpu.memory_space<vmem>>
      %dma_start3A_25 = arith.constant 0 : i32
      %dma_start3A_26 = arith.constant 0 : i32
      %dma_start3A_27 = tpu.memref_slice %arg13[%dma_start3A_25, %dma_start3A_26] : memref<10000x128xf32, #tpu.memory_space<vmem_shared>> -> memref<10000x128xf32, #tpu.memory_space<vmem_shared>>
      tpu.enqueue_indirect_dma source(%arg11 : memref<80x128xf32, #tpu.memory_space<vmem>>) target(%dma_start3A_27 : memref<10000x128xf32, #tpu.memory_space<vmem_shared>>) offsets(%dma_start3A_24 : memref<80xi32, #tpu.memory_space<vmem>>) semaphore(%arg16 : memref<!tpu.dma_semaphore, #tpu.memory_space<semaphore_mem>>) {add = true}
      %scan3A = arith.constant 0 : i32
      %scan3A_28 = arith.constant 0 : i32
      %scan3A_29 = arith.constant 62 : i32
      %scan3A_30 = arith.addi %scan3A_28, %scan3A_29 : i32
      %scan3A_31 = arith.constant 1 : i32
      scf.for %scan3A_48 = %scan3A_28 to %scan3A_30 step %scan3A_31  : i32 {
        %mul3A_49 = arith.constant 2 : i32
        %mul3A_50 = arith.muli %mul3A_49, %scan3A_48 : i32
        %add3A = arith.constant 1 : i32
        %add3A_51 = arith.addi %mul3A_50, %add3A : i32
        %mul3A_52 = arith.constant 80 : i32
        %mul3A_53 = arith.muli %add3A_51, %mul3A_52 : i32
        %dma_wait3A_54 = tpu.memref_slice %arg9[%mul3A_53] : memref<10080xi32, #tpu.memory_space<vmem>> -> memref<80xi32, #tpu.memory_space<vmem>>
        %dma_wait3A_55 = arith.constant 0 : i32
        %dma_wait3A_56 = arith.constant 0 : i32
        %dma_wait3A_57 = tpu.memref_slice %arg2[%dma_wait3A_55, %dma_wait3A_56] : memref<10000x128xf32, #tpu.memory_space<hbm>> -> memref<10000x128xf32, #tpu.memory_space<hbm>>
        tpu.wait_indirect_dma semaphore(%arg15 : memref<!tpu.dma_semaphore, #tpu.memory_space<semaphore_mem>>) src(%dma_wait3A_57 : memref<10000x128xf32, #tpu.memory_space<hbm>>) dst(%arg12 : memref<80x128xf32, #tpu.memory_space<vmem>>)
        %dma_start3A_58 = arith.constant 0 : i32
        %dma_start3A_59 = tpu.memref_slice %arg10[%add3A_51, %dma_start3A_58] : memref<125x80xi32, #tpu.memory_space<vmem>> -> memref<1x80xi32, #tpu.memory_space<vmem>>
        %dma_start3A_60 = tpu.memref_squeeze %dma_start3A_59 : memref<1x80xi32, #tpu.memory_space<vmem>> -> memref<80xi32, #tpu.memory_space<vmem>>
        %dma_start3A_61 = arith.constant 0 : i32
        %dma_start3A_62 = arith.constant 0 : i32
        %dma_start3A_63 = tpu.memref_slice %arg13[%dma_start3A_61, %dma_start3A_62] : memref<10000x128xf32, #tpu.memory_space<vmem_shared>> -> memref<10000x128xf32, #tpu.memory_space<vmem_shared>>
        tpu.enqueue_indirect_dma source(%arg12 : memref<80x128xf32, #tpu.memory_space<vmem>>) target(%dma_start3A_63 : memref<10000x128xf32, #tpu.memory_space<vmem_shared>>) offsets(%dma_start3A_60 : memref<80xi32, #tpu.memory_space<vmem>>) semaphore(%arg17 : memref<!tpu.dma_semaphore, #tpu.memory_space<semaphore_mem>>) {add = true}
        %sub3A = arith.constant 1 : i32
        %sub3A_64 = arith.subi %add3A_51, %sub3A : i32
        %dma_wait3A_65 = arith.constant 0 : i32
        %dma_wait3A_66 = tpu.memref_slice %arg10[%sub3A_64, %dma_wait3A_65] : memref<125x80xi32, #tpu.memory_space<vmem>> -> memref<1x80xi32, #tpu.memory_space<vmem>>
        %dma_wait3A_67 = tpu.memref_squeeze %dma_wait3A_66 : memref<1x80xi32, #tpu.memory_space<vmem>> -> memref<80xi32, #tpu.memory_space<vmem>>
        %dma_wait3A_68 = arith.constant 0 : i32
        %dma_wait3A_69 = arith.constant 0 : i32
        %dma_wait3A_70 = tpu.memref_slice %arg13[%dma_wait3A_68, %dma_wait3A_69] : memref<10000x128xf32, #tpu.memory_space<vmem_shared>> -> memref<10000x128xf32, #tpu.memory_space<vmem_shared>>
        tpu.wait_indirect_dma semaphore(%arg16 : memref<!tpu.dma_semaphore, #tpu.memory_space<semaphore_mem>>) src(%arg11 : memref<80x128xf32, #tpu.memory_space<vmem>>) dst(%dma_wait3A_70 : memref<10000x128xf32, #tpu.memory_space<vmem_shared>>)
        %add3A_71 = arith.constant 1 : i32
        %add3A_72 = arith.addi %add3A_51, %add3A_71 : i32
        %mul3A_73 = arith.constant 80 : i32
        %mul3A_74 = arith.muli %add3A_72, %mul3A_73 : i32
        %dma_start3A_75 = tpu.memref_slice %arg9[%mul3A_74] : memref<10080xi32, #tpu.memory_space<vmem>> -> memref<80xi32, #tpu.memory_space<vmem>>
        %dma_start3A_76 = arith.constant 0 : i32
        %dma_start3A_77 = arith.constant 0 : i32
        %dma_start3A_78 = tpu.memref_slice %arg2[%dma_start3A_76, %dma_start3A_77] : memref<10000x128xf32, #tpu.memory_space<hbm>> -> memref<10000x128xf32, #tpu.memory_space<hbm>>
        tpu.enqueue_indirect_dma source(%dma_start3A_78 : memref<10000x128xf32, #tpu.memory_space<hbm>>) target(%arg11 : memref<80x128xf32, #tpu.memory_space<vmem>>) offsets(%dma_start3A_75 : memref<80xi32, #tpu.memory_space<vmem>>) semaphore(%arg14 : memref<!tpu.dma_semaphore, #tpu.memory_space<semaphore_mem>>)
        %add3A_79 = arith.constant 1 : i32
        %add3A_80 = arith.addi %add3A_51, %add3A_79 : i32
        %mul3A_81 = arith.constant 80 : i32
        %mul3A_82 = arith.muli %add3A_80, %mul3A_81 : i32
        %dma_wait3A_83 = tpu.memref_slice %arg9[%mul3A_82] : memref<10080xi32, #tpu.memory_space<vmem>> -> memref<80xi32, #tpu.memory_space<vmem>>
        %dma_wait3A_84 = arith.constant 0 : i32
        %dma_wait3A_85 = arith.constant 0 : i32
        %dma_wait3A_86 = tpu.memref_slice %arg2[%dma_wait3A_84, %dma_wait3A_85] : memref<10000x128xf32, #tpu.memory_space<hbm>> -> memref<10000x128xf32, #tpu.memory_space<hbm>>
        tpu.wait_indirect_dma semaphore(%arg14 : memref<!tpu.dma_semaphore, #tpu.memory_space<semaphore_mem>>) src(%dma_wait3A_86 : memref<10000x128xf32, #tpu.memory_space<hbm>>) dst(%arg11 : memref<80x128xf32, #tpu.memory_space<vmem>>)
        %add3A_87 = arith.constant 1 : i32
        %add3A_88 = arith.addi %add3A_51, %add3A_87 : i32
        %dma_start3A_89 = arith.constant 0 : i32
        %dma_start3A_90 = tpu.memref_slice %arg10[%add3A_88, %dma_start3A_89] : memref<125x80xi32, #tpu.memory_space<vmem>> -> memref<1x80xi32, #tpu.memory_space<vmem>>
        %dma_start3A_91 = tpu.memref_squeeze %dma_start3A_90 : memref<1x80xi32, #tpu.memory_space<vmem>> -> memref<80xi32, #tpu.memory_space<vmem>>
        %dma_start3A_92 = arith.constant 0 : i32
        %dma_start3A_93 = arith.constant 0 : i32
        %dma_start3A_94 = tpu.memref_slice %arg13[%dma_start3A_92, %dma_start3A_93] : memref<10000x128xf32, #tpu.memory_space<vmem_shared>> -> memref<10000x128xf32, #tpu.memory_space<vmem_shared>>
        tpu.enqueue_indirect_dma source(%arg11 : memref<80x128xf32, #tpu.memory_space<vmem>>) target(%dma_start3A_94 : memref<10000x128xf32, #tpu.memory_space<vmem_shared>>) offsets(%dma_start3A_91 : memref<80xi32, #tpu.memory_space<vmem>>) semaphore(%arg16 : memref<!tpu.dma_semaphore, #tpu.memory_space<semaphore_mem>>) {add = true}
        %dma_wait3A_95 = arith.constant 0 : i32
        %dma_wait3A_96 = tpu.memref_slice %arg10[%add3A_51, %dma_wait3A_95] : memref<125x80xi32, #tpu.memory_space<vmem>> -> memref<1x80xi32, #tpu.memory_space<vmem>>
        %dma_wait3A_97 = tpu.memref_squeeze %dma_wait3A_96 : memref<1x80xi32, #tpu.memory_space<vmem>> -> memref<80xi32, #tpu.memory_space<vmem>>
        %dma_wait3A_98 = arith.constant 0 : i32
        %dma_wait3A_99 = arith.constant 0 : i32
        %dma_wait3A_100 = tpu.memref_slice %arg13[%dma_wait3A_98, %dma_wait3A_99] : memref<10000x128xf32, #tpu.memory_space<vmem_shared>> -> memref<10000x128xf32, #tpu.memory_space<vmem_shared>>
        tpu.wait_indirect_dma semaphore(%arg17 : memref<!tpu.dma_semaphore, #tpu.memory_space<semaphore_mem>>) src(%arg12 : memref<80x128xf32, #tpu.memory_space<vmem>>) dst(%dma_wait3A_100 : memref<10000x128xf32, #tpu.memory_space<vmem_shared>>)
        %add3A_101 = arith.constant 2 : i32
        %add3A_102 = arith.addi %add3A_51, %add3A_101 : i32
        %mul3A_103 = arith.constant 80 : i32
        %mul3A_104 = arith.muli %add3A_102, %mul3A_103 : i32
        %dma_start3A_105 = tpu.memref_slice %arg9[%mul3A_104] : memref<10080xi32, #tpu.memory_space<vmem>> -> memref<80xi32, #tpu.memory_space<vmem>>
        %dma_start3A_106 = arith.constant 0 : i32
        %dma_start3A_107 = arith.constant 0 : i32
        %dma_start3A_108 = tpu.memref_slice %arg2[%dma_start3A_106, %dma_start3A_107] : memref<10000x128xf32, #tpu.memory_space<hbm>> -> memref<10000x128xf32, #tpu.memory_space<hbm>>
        tpu.enqueue_indirect_dma source(%dma_start3A_108 : memref<10000x128xf32, #tpu.memory_space<hbm>>) target(%arg12 : memref<80x128xf32, #tpu.memory_space<vmem>>) offsets(%dma_start3A_105 : memref<80xi32, #tpu.memory_space<vmem>>) semaphore(%arg15 : memref<!tpu.dma_semaphore, #tpu.memory_space<semaphore_mem>>)
      }
      %scan3A_32 = arith.constant 62 : i32
      %dma_wait3A_33 = arith.constant 124 : i32
      %dma_wait3A_34 = arith.constant 0 : i32
      %dma_wait3A_35 = tpu.memref_slice %arg10[%dma_wait3A_33, %dma_wait3A_34] : memref<125x80xi32, #tpu.memory_space<vmem>> -> memref<1x80xi32, #tpu.memory_space<vmem>>
      %dma_wait3A_36 = tpu.memref_squeeze %dma_wait3A_35 : memref<1x80xi32, #tpu.memory_space<vmem>> -> memref<80xi32, #tpu.memory_space<vmem>>
      %dma_wait3A_37 = arith.constant 0 : i32
      %dma_wait3A_38 = arith.constant 0 : i32
      %dma_wait3A_39 = tpu.memref_slice %arg13[%dma_wait3A_37, %dma_wait3A_38] : memref<10000x128xf32, #tpu.memory_space<vmem_shared>> -> memref<10000x128xf32, #tpu.memory_space<vmem_shared>>
      tpu.wait_indirect_dma semaphore(%arg16 : memref<!tpu.dma_semaphore, #tpu.memory_space<semaphore_mem>>) src(%arg11 : memref<80x128xf32, #tpu.memory_space<vmem>>) dst(%dma_wait3A_39 : memref<10000x128xf32, #tpu.memory_space<vmem_shared>>)
      %dma_wait3A_40 = arith.constant 10000 : i32
      %dma_wait3A_41 = tpu.memref_slice %arg9[%dma_wait3A_40] : memref<10080xi32, #tpu.memory_space<vmem>> -> memref<80xi32, #tpu.memory_space<vmem>>
      %dma_wait3A_42 = arith.constant 0 : i32
      %dma_wait3A_43 = arith.constant 0 : i32
      %dma_wait3A_44 = tpu.memref_slice %arg2[%dma_wait3A_42, %dma_wait3A_43] : memref<10000x128xf32, #tpu.memory_space<hbm>> -> memref<10000x128xf32, #tpu.memory_space<hbm>>
      tpu.wait_indirect_dma semaphore(%arg15 : memref<!tpu.dma_semaphore, #tpu.memory_space<semaphore_mem>>) src(%dma_wait3A_44 : memref<10000x128xf32, #tpu.memory_space<hbm>>) dst(%arg12 : memref<80x128xf32, #tpu.memory_space<vmem>>)
      %barrier3A_45 = arith.constant 0 : index
      tpu.barrier barrier_id(%barrier3A_45)
      %mul3A_46 = arith.constant 625 : i32
      %mul3A_47 = arith.muli %arg1, %mul3A_46 : i32
      "tpu.region"() ({
        %run_scoped3A = tpu.sem_alloc : memref<!tpu.dma_semaphore, #tpu.memory_space<semaphore_mem>>
        %dma_start3A_48 = arith.constant 0 : i32
        %dma_start3A_49 = arith.constant 0 : i32
        %dma_start3A_50 = tpu.memref_slice %arg7[%arg1, %dma_start3A_48, %dma_start3A_49] : memref<16x625x128xf32, #tpu.memory_space<hbm>> -> memref<1x625x128xf32, #tpu.memory_space<hbm>>
        %dma_start3A_51 = tpu.memref_squeeze %dma_start3A_50 : memref<1x625x128xf32, #tpu.memory_space<hbm>> -> memref<625x128xf32, #tpu.memory_space<hbm>>
        %dma_start3A_52 = arith.constant 0 : i32
        %dma_start3A_53 = tpu.memref_slice %arg13[%mul3A_47, %dma_start3A_52] : memref<10000x128xf32, #tpu.memory_space<vmem_shared>> -> memref<625x128xf32, #tpu.memory_space<vmem_shared>>
        tpu.enqueue_dma source(%dma_start3A_53 : memref<625x128xf32, #tpu.memory_space<vmem_shared>>) target(%dma_start3A_51 : memref<625x128xf32, #tpu.memory_space<hbm>>) target_semaphore(%run_scoped3A : memref<!tpu.dma_semaphore, #tpu.memory_space<semaphore_mem>>)
        %dma_wait3A_54 = arith.constant 0 : i32
        %dma_wait3A_55 = arith.constant 0 : i32
        %dma_wait3A_56 = tpu.memref_slice %arg7[%arg1, %dma_wait3A_54, %dma_wait3A_55] : memref<16x625x128xf32, #tpu.memory_space<hbm>> -> memref<1x625x128xf32, #tpu.memory_space<hbm>>
        %dma_wait3A_57 = tpu.memref_squeeze %dma_wait3A_56 : memref<1x625x128xf32, #tpu.memory_space<hbm>> -> memref<625x128xf32, #tpu.memory_space<hbm>>
        %dma_wait3A_58 = arith.constant 0 : i32
        %dma_wait3A_59 = tpu.memref_slice %arg13[%mul3A_47, %dma_wait3A_58] : memref<10000x128xf32, #tpu.memory_space<vmem_shared>> -> memref<625x128xf32, #tpu.memory_space<vmem_shared>>
        tpu.wait_dma2 semaphore(%run_scoped3A : memref<!tpu.dma_semaphore, #tpu.memory_space<semaphore_mem>>) src(%dma_wait3A_59 : memref<625x128xf32, #tpu.memory_space<vmem_shared>>) dst(%dma_wait3A_57 : memref<625x128xf32, #tpu.memory_space<hbm>>)
        tpu.yield
      }) : () -> ()
    } else {
    }
    %eq3A_2 = arith.constant 1 : i32
    %eq3A_3 = arith.cmpi eq, %arg0, %eq3A_2 : i32
    %convert_element_type3A_4 = arith.extui %eq3A_3 : i1 to i32
    %cond3A_5 = arith.constant 0 : i32
    %cond3A_6 = arith.cmpi ne, %convert_element_type3A_4, %cond3A_5 : i32
    scf.if %cond3A_6 {
      %mul3A = arith.constant 625 : i32
      %mul3A_7 = arith.muli %arg1, %mul3A : i32
      "tpu.region"() ({
        %run_scoped3A = tpu.sem_alloc : memref<!tpu.dma_semaphore, #tpu.memory_space<semaphore_mem>>
        %dma_start3A_48 = arith.constant 0 : i32
        %dma_start3A_49 = tpu.memref_slice %arg13[%mul3A_7, %dma_start3A_48] : memref<10000x128xf32, #tpu.memory_space<vmem_shared>> -> memref<625x128xf32, #tpu.memory_space<vmem_shared>>
        tpu.enqueue_dma source(%arg6 : memref<625x128xf32, #tpu.memory_space<hbm>>) target(%dma_start3A_49 : memref<625x128xf32, #tpu.memory_space<vmem_shared>>) target_semaphore(%run_scoped3A : memref<!tpu.dma_semaphore, #tpu.memory_space<semaphore_mem>>)
        %dma_wait3A_50 = arith.constant 0 : i32
        %dma_wait3A_51 = tpu.memref_slice %arg13[%mul3A_7, %dma_wait3A_50] : memref<10000x128xf32, #tpu.memory_space<vmem_shared>> -> memref<625x128xf32, #tpu.memory_space<vmem_shared>>
        tpu.wait_dma2 semaphore(%run_scoped3A : memref<!tpu.dma_semaphore, #tpu.memory_space<semaphore_mem>>) src(%arg6 : memref<625x128xf32, #tpu.memory_space<hbm>>) dst(%dma_wait3A_51 : memref<625x128xf32, #tpu.memory_space<vmem_shared>>)
        tpu.yield
      }) : () -> ()
      %barrier3A = arith.constant 0 : index
      tpu.barrier barrier_id(%barrier3A)
      %dma_start3A = arith.constant 0 : i32
      %dma_start3A_8 = tpu.memref_slice %arg9[%dma_start3A] : memref<10080xi32, #tpu.memory_space<vmem>> -> memref<80xi32, #tpu.memory_space<vmem>>
      %dma_start3A_9 = arith.constant 0 : i32
      %dma_start3A_10 = arith.constant 0 : i32
      %dma_start3A_11 = tpu.memref_slice %arg3[%dma_start3A_9, %dma_start3A_10] : memref<10000x128xf32, #tpu.memory_space<hbm>> -> memref<10000x128xf32, #tpu.memory_space<hbm>>
      tpu.enqueue_indirect_dma source(%dma_start3A_11 : memref<10000x128xf32, #tpu.memory_space<hbm>>) target(%arg11 : memref<80x128xf32, #tpu.memory_space<vmem>>) offsets(%dma_start3A_8 : memref<80xi32, #tpu.memory_space<vmem>>) semaphore(%arg14 : memref<!tpu.dma_semaphore, #tpu.memory_space<semaphore_mem>>)
      %dma_wait3A = arith.constant 0 : i32
      %dma_wait3A_12 = tpu.memref_slice %arg9[%dma_wait3A] : memref<10080xi32, #tpu.memory_space<vmem>> -> memref<80xi32, #tpu.memory_space<vmem>>
      %dma_wait3A_13 = arith.constant 0 : i32
      %dma_wait3A_14 = arith.constant 0 : i32
      %dma_wait3A_15 = tpu.memref_slice %arg3[%dma_wait3A_13, %dma_wait3A_14] : memref<10000x128xf32, #tpu.memory_space<hbm>> -> memref<10000x128xf32, #tpu.memory_space<hbm>>
      tpu.wait_indirect_dma semaphore(%arg14 : memref<!tpu.dma_semaphore, #tpu.memory_space<semaphore_mem>>) src(%dma_wait3A_15 : memref<10000x128xf32, #tpu.memory_space<hbm>>) dst(%arg11 : memref<80x128xf32, #tpu.memory_space<vmem>>)
      %dma_start3A_16 = arith.constant 80 : i32
      %dma_start3A_17 = tpu.memref_slice %arg9[%dma_start3A_16] : memref<10080xi32, #tpu.memory_space<vmem>> -> memref<80xi32, #tpu.memory_space<vmem>>
      %dma_start3A_18 = arith.constant 0 : i32
      %dma_start3A_19 = arith.constant 0 : i32
      %dma_start3A_20 = tpu.memref_slice %arg3[%dma_start3A_18, %dma_start3A_19] : memref<10000x128xf32, #tpu.memory_space<hbm>> -> memref<10000x128xf32, #tpu.memory_space<hbm>>
      tpu.enqueue_indirect_dma source(%dma_start3A_20 : memref<10000x128xf32, #tpu.memory_space<hbm>>) target(%arg12 : memref<80x128xf32, #tpu.memory_space<vmem>>) offsets(%dma_start3A_17 : memref<80xi32, #tpu.memory_space<vmem>>) semaphore(%arg15 : memref<!tpu.dma_semaphore, #tpu.memory_space<semaphore_mem>>)
      %dma_start3A_21 = arith.constant 0 : i32
      %dma_start3A_22 = arith.constant 0 : i32
      %dma_start3A_23 = tpu.memref_slice %arg10[%dma_start3A_21, %dma_start3A_22] : memref<125x80xi32, #tpu.memory_space<vmem>> -> memref<1x80xi32, #tpu.memory_space<vmem>>
      %dma_start3A_24 = tpu.memref_squeeze %dma_start3A_23 : memref<1x80xi32, #tpu.memory_space<vmem>> -> memref<80xi32, #tpu.memory_space<vmem>>
      %dma_start3A_25 = arith.constant 0 : i32
      %dma_start3A_26 = arith.constant 0 : i32
      %dma_start3A_27 = tpu.memref_slice %arg13[%dma_start3A_25, %dma_start3A_26] : memref<10000x128xf32, #tpu.memory_space<vmem_shared>> -> memref<10000x128xf32, #tpu.memory_space<vmem_shared>>
      tpu.enqueue_indirect_dma source(%arg11 : memref<80x128xf32, #tpu.memory_space<vmem>>) target(%dma_start3A_27 : memref<10000x128xf32, #tpu.memory_space<vmem_shared>>) offsets(%dma_start3A_24 : memref<80xi32, #tpu.memory_space<vmem>>) semaphore(%arg16 : memref<!tpu.dma_semaphore, #tpu.memory_space<semaphore_mem>>) {add = true}
      %scan3A = arith.constant 0 : i32
      %scan3A_28 = arith.constant 0 : i32
      %scan3A_29 = arith.constant 62 : i32
      %scan3A_30 = arith.addi %scan3A_28, %scan3A_29 : i32
      %scan3A_31 = arith.constant 1 : i32
      scf.for %scan3A_48 = %scan3A_28 to %scan3A_30 step %scan3A_31  : i32 {
        %mul3A_49 = arith.constant 2 : i32
        %mul3A_50 = arith.muli %mul3A_49, %scan3A_48 : i32
        %add3A = arith.constant 1 : i32
        %add3A_51 = arith.addi %mul3A_50, %add3A : i32
        %mul3A_52 = arith.constant 80 : i32
        %mul3A_53 = arith.muli %add3A_51, %mul3A_52 : i32
        %dma_wait3A_54 = tpu.memref_slice %arg9[%mul3A_53] : memref<10080xi32, #tpu.memory_space<vmem>> -> memref<80xi32, #tpu.memory_space<vmem>>
        %dma_wait3A_55 = arith.constant 0 : i32
        %dma_wait3A_56 = arith.constant 0 : i32
        %dma_wait3A_57 = tpu.memref_slice %arg3[%dma_wait3A_55, %dma_wait3A_56] : memref<10000x128xf32, #tpu.memory_space<hbm>> -> memref<10000x128xf32, #tpu.memory_space<hbm>>
        tpu.wait_indirect_dma semaphore(%arg15 : memref<!tpu.dma_semaphore, #tpu.memory_space<semaphore_mem>>) src(%dma_wait3A_57 : memref<10000x128xf32, #tpu.memory_space<hbm>>) dst(%arg12 : memref<80x128xf32, #tpu.memory_space<vmem>>)
        %dma_start3A_58 = arith.constant 0 : i32
        %dma_start3A_59 = tpu.memref_slice %arg10[%add3A_51, %dma_start3A_58] : memref<125x80xi32, #tpu.memory_space<vmem>> -> memref<1x80xi32, #tpu.memory_space<vmem>>
        %dma_start3A_60 = tpu.memref_squeeze %dma_start3A_59 : memref<1x80xi32, #tpu.memory_space<vmem>> -> memref<80xi32, #tpu.memory_space<vmem>>
        %dma_start3A_61 = arith.constant 0 : i32
        %dma_start3A_62 = arith.constant 0 : i32
        %dma_start3A_63 = tpu.memref_slice %arg13[%dma_start3A_61, %dma_start3A_62] : memref<10000x128xf32, #tpu.memory_space<vmem_shared>> -> memref<10000x128xf32, #tpu.memory_space<vmem_shared>>
        tpu.enqueue_indirect_dma source(%arg12 : memref<80x128xf32, #tpu.memory_space<vmem>>) target(%dma_start3A_63 : memref<10000x128xf32, #tpu.memory_space<vmem_shared>>) offsets(%dma_start3A_60 : memref<80xi32, #tpu.memory_space<vmem>>) semaphore(%arg17 : memref<!tpu.dma_semaphore, #tpu.memory_space<semaphore_mem>>) {add = true}
        %sub3A = arith.constant 1 : i32
        %sub3A_64 = arith.subi %add3A_51, %sub3A : i32
        %dma_wait3A_65 = arith.constant 0 : i32
        %dma_wait3A_66 = tpu.memref_slice %arg10[%sub3A_64, %dma_wait3A_65] : memref<125x80xi32, #tpu.memory_space<vmem>> -> memref<1x80xi32, #tpu.memory_space<vmem>>
        %dma_wait3A_67 = tpu.memref_squeeze %dma_wait3A_66 : memref<1x80xi32, #tpu.memory_space<vmem>> -> memref<80xi32, #tpu.memory_space<vmem>>
        %dma_wait3A_68 = arith.constant 0 : i32
        %dma_wait3A_69 = arith.constant 0 : i32
        %dma_wait3A_70 = tpu.memref_slice %arg13[%dma_wait3A_68, %dma_wait3A_69] : memref<10000x128xf32, #tpu.memory_space<vmem_shared>> -> memref<10000x128xf32, #tpu.memory_space<vmem_shared>>
        tpu.wait_indirect_dma semaphore(%arg16 : memref<!tpu.dma_semaphore, #tpu.memory_space<semaphore_mem>>) src(%arg11 : memref<80x128xf32, #tpu.memory_space<vmem>>) dst(%dma_wait3A_70 : memref<10000x128xf32, #tpu.memory_space<vmem_shared>>)
        %add3A_71 = arith.constant 1 : i32
        %add3A_72 = arith.addi %add3A_51, %add3A_71 : i32
        %mul3A_73 = arith.constant 80 : i32
        %mul3A_74 = arith.muli %add3A_72, %mul3A_73 : i32
        %dma_start3A_75 = tpu.memref_slice %arg9[%mul3A_74] : memref<10080xi32, #tpu.memory_space<vmem>> -> memref<80xi32, #tpu.memory_space<vmem>>
        %dma_start3A_76 = arith.constant 0 : i32
        %dma_start3A_77 = arith.constant 0 : i32
        %dma_start3A_78 = tpu.memref_slice %arg3[%dma_start3A_76, %dma_start3A_77] : memref<10000x128xf32, #tpu.memory_space<hbm>> -> memref<10000x128xf32, #tpu.memory_space<hbm>>
        tpu.enqueue_indirect_dma source(%dma_start3A_78 : memref<10000x128xf32, #tpu.memory_space<hbm>>) target(%arg11 : memref<80x128xf32, #tpu.memory_space<vmem>>) offsets(%dma_start3A_75 : memref<80xi32, #tpu.memory_space<vmem>>) semaphore(%arg14 : memref<!tpu.dma_semaphore, #tpu.memory_space<semaphore_mem>>)
        %add3A_79 = arith.constant 1 : i32
        %add3A_80 = arith.addi %add3A_51, %add3A_79 : i32
        %mul3A_81 = arith.constant 80 : i32
        %mul3A_82 = arith.muli %add3A_80, %mul3A_81 : i32
        %dma_wait3A_83 = tpu.memref_slice %arg9[%mul3A_82] : memref<10080xi32, #tpu.memory_space<vmem>> -> memref<80xi32, #tpu.memory_space<vmem>>
        %dma_wait3A_84 = arith.constant 0 : i32
        %dma_wait3A_85 = arith.constant 0 : i32
        %dma_wait3A_86 = tpu.memref_slice %arg3[%dma_wait3A_84, %dma_wait3A_85] : memref<10000x128xf32, #tpu.memory_space<hbm>> -> memref<10000x128xf32, #tpu.memory_space<hbm>>
        tpu.wait_indirect_dma semaphore(%arg14 : memref<!tpu.dma_semaphore, #tpu.memory_space<semaphore_mem>>) src(%dma_wait3A_86 : memref<10000x128xf32, #tpu.memory_space<hbm>>) dst(%arg11 : memref<80x128xf32, #tpu.memory_space<vmem>>)
        %add3A_87 = arith.constant 1 : i32
        %add3A_88 = arith.addi %add3A_51, %add3A_87 : i32
        %dma_start3A_89 = arith.constant 0 : i32
        %dma_start3A_90 = tpu.memref_slice %arg10[%add3A_88, %dma_start3A_89] : memref<125x80xi32, #tpu.memory_space<vmem>> -> memref<1x80xi32, #tpu.memory_space<vmem>>
        %dma_start3A_91 = tpu.memref_squeeze %dma_start3A_90 : memref<1x80xi32, #tpu.memory_space<vmem>> -> memref<80xi32, #tpu.memory_space<vmem>>
        %dma_start3A_92 = arith.constant 0 : i32
        %dma_start3A_93 = arith.constant 0 : i32
        %dma_start3A_94 = tpu.memref_slice %arg13[%dma_start3A_92, %dma_start3A_93] : memref<10000x128xf32, #tpu.memory_space<vmem_shared>> -> memref<10000x128xf32, #tpu.memory_space<vmem_shared>>
        tpu.enqueue_indirect_dma source(%arg11 : memref<80x128xf32, #tpu.memory_space<vmem>>) target(%dma_start3A_94 : memref<10000x128xf32, #tpu.memory_space<vmem_shared>>) offsets(%dma_start3A_91 : memref<80xi32, #tpu.memory_space<vmem>>) semaphore(%arg16 : memref<!tpu.dma_semaphore, #tpu.memory_space<semaphore_mem>>) {add = true}
        %dma_wait3A_95 = arith.constant 0 : i32
        %dma_wait3A_96 = tpu.memref_slice %arg10[%add3A_51, %dma_wait3A_95] : memref<125x80xi32, #tpu.memory_space<vmem>> -> memref<1x80xi32, #tpu.memory_space<vmem>>
        %dma_wait3A_97 = tpu.memref_squeeze %dma_wait3A_96 : memref<1x80xi32, #tpu.memory_space<vmem>> -> memref<80xi32, #tpu.memory_space<vmem>>
        %dma_wait3A_98 = arith.constant 0 : i32
        %dma_wait3A_99 = arith.constant 0 : i32
        %dma_wait3A_100 = tpu.memref_slice %arg13[%dma_wait3A_98, %dma_wait3A_99] : memref<10000x128xf32, #tpu.memory_space<vmem_shared>> -> memref<10000x128xf32, #tpu.memory_space<vmem_shared>>
        tpu.wait_indirect_dma semaphore(%arg17 : memref<!tpu.dma_semaphore, #tpu.memory_space<semaphore_mem>>) src(%arg12 : memref<80x128xf32, #tpu.memory_space<vmem>>) dst(%dma_wait3A_100 : memref<10000x128xf32, #tpu.memory_space<vmem_shared>>)
        %add3A_101 = arith.constant 2 : i32
        %add3A_102 = arith.addi %add3A_51, %add3A_101 : i32
        %mul3A_103 = arith.constant 80 : i32
        %mul3A_104 = arith.muli %add3A_102, %mul3A_103 : i32
        %dma_start3A_105 = tpu.memref_slice %arg9[%mul3A_104] : memref<10080xi32, #tpu.memory_space<vmem>> -> memref<80xi32, #tpu.memory_space<vmem>>
        %dma_start3A_106 = arith.constant 0 : i32
        %dma_start3A_107 = arith.constant 0 : i32
        %dma_start3A_108 = tpu.memref_slice %arg3[%dma_start3A_106, %dma_start3A_107] : memref<10000x128xf32, #tpu.memory_space<hbm>> -> memref<10000x128xf32, #tpu.memory_space<hbm>>
        tpu.enqueue_indirect_dma source(%dma_start3A_108 : memref<10000x128xf32, #tpu.memory_space<hbm>>) target(%arg12 : memref<80x128xf32, #tpu.memory_space<vmem>>) offsets(%dma_start3A_105 : memref<80xi32, #tpu.memory_space<vmem>>) semaphore(%arg15 : memref<!tpu.dma_semaphore, #tpu.memory_space<semaphore_mem>>)
      }
      %scan3A_32 = arith.constant 62 : i32
      %dma_wait3A_33 = arith.constant 124 : i32
      %dma_wait3A_34 = arith.constant 0 : i32
      %dma_wait3A_35 = tpu.memref_slice %arg10[%dma_wait3A_33, %dma_wait3A_34] : memref<125x80xi32, #tpu.memory_space<vmem>> -> memref<1x80xi32, #tpu.memory_space<vmem>>
      %dma_wait3A_36 = tpu.memref_squeeze %dma_wait3A_35 : memref<1x80xi32, #tpu.memory_space<vmem>> -> memref<80xi32, #tpu.memory_space<vmem>>
      %dma_wait3A_37 = arith.constant 0 : i32
      %dma_wait3A_38 = arith.constant 0 : i32
      %dma_wait3A_39 = tpu.memref_slice %arg13[%dma_wait3A_37, %dma_wait3A_38] : memref<10000x128xf32, #tpu.memory_space<vmem_shared>> -> memref<10000x128xf32, #tpu.memory_space<vmem_shared>>
      tpu.wait_indirect_dma semaphore(%arg16 : memref<!tpu.dma_semaphore, #tpu.memory_space<semaphore_mem>>) src(%arg11 : memref<80x128xf32, #tpu.memory_space<vmem>>) dst(%dma_wait3A_39 : memref<10000x128xf32, #tpu.memory_space<vmem_shared>>)
      %dma_wait3A_40 = arith.constant 10000 : i32
      %dma_wait3A_41 = tpu.memref_slice %arg9[%dma_wait3A_40] : memref<10080xi32, #tpu.memory_space<vmem>> -> memref<80xi32, #tpu.memory_space<vmem>>
      %dma_wait3A_42 = arith.constant 0 : i32
      %dma_wait3A_43 = arith.constant 0 : i32
      %dma_wait3A_44 = tpu.memref_slice %arg3[%dma_wait3A_42, %dma_wait3A_43] : memref<10000x128xf32, #tpu.memory_space<hbm>> -> memref<10000x128xf32, #tpu.memory_space<hbm>>
      tpu.wait_indirect_dma semaphore(%arg15 : memref<!tpu.dma_semaphore, #tpu.memory_space<semaphore_mem>>) src(%dma_wait3A_44 : memref<10000x128xf32, #tpu.memory_space<hbm>>) dst(%arg12 : memref<80x128xf32, #tpu.memory_space<vmem>>)
      %barrier3A_45 = arith.constant 0 : index
      tpu.barrier barrier_id(%barrier3A_45)
      %mul3A_46 = arith.constant 625 : i32
      %mul3A_47 = arith.muli %arg1, %mul3A_46 : i32
      "tpu.region"() ({
        %run_scoped3A = tpu.sem_alloc : memref<!tpu.dma_semaphore, #tpu.memory_space<semaphore_mem>>
        %dma_start3A_48 = arith.constant 0 : i32
        %dma_start3A_49 = arith.constant 0 : i32
        %dma_start3A_50 = tpu.memref_slice %arg8[%arg1, %dma_start3A_48, %dma_start3A_49] : memref<16x625x128xf32, #tpu.memory_space<hbm>> -> memref<1x625x128xf32, #tpu.memory_space<hbm>>
        %dma_start3A_51 = tpu.memref_squeeze %dma_start3A_50 : memref<1x625x128xf32, #tpu.memory_space<hbm>> -> memref<625x128xf32, #tpu.memory_space<hbm>>
        %dma_start3A_52 = arith.constant 0 : i32
        %dma_start3A_53 = tpu.memref_slice %arg13[%mul3A_47, %dma_start3A_52] : memref<10000x128xf32, #tpu.memory_space<vmem_shared>> -> memref<625x128xf32, #tpu.memory_space<vmem_shared>>
        tpu.enqueue_dma source(%dma_start3A_53 : memref<625x128xf32, #tpu.memory_space<vmem_shared>>) target(%dma_start3A_51 : memref<625x128xf32, #tpu.memory_space<hbm>>) target_semaphore(%run_scoped3A : memref<!tpu.dma_semaphore, #tpu.memory_space<semaphore_mem>>)
        %dma_wait3A_54 = arith.constant 0 : i32
        %dma_wait3A_55 = arith.constant 0 : i32
        %dma_wait3A_56 = tpu.memref_slice %arg8[%arg1, %dma_wait3A_54, %dma_wait3A_55] : memref<16x625x128xf32, #tpu.memory_space<hbm>> -> memref<1x625x128xf32, #tpu.memory_space<hbm>>
        %dma_wait3A_57 = tpu.memref_squeeze %dma_wait3A_56 : memref<1x625x128xf32, #tpu.memory_space<hbm>> -> memref<625x128xf32, #tpu.memory_space<hbm>>
        %dma_wait3A_58 = arith.constant 0 : i32
        %dma_wait3A_59 = tpu.memref_slice %arg13[%mul3A_47, %dma_wait3A_58] : memref<10000x128xf32, #tpu.memory_space<vmem_shared>> -> memref<625x128xf32, #tpu.memory_space<vmem_shared>>
        tpu.wait_dma2 semaphore(%run_scoped3A : memref<!tpu.dma_semaphore, #tpu.memory_space<semaphore_mem>>) src(%dma_wait3A_59 : memref<625x128xf32, #tpu.memory_space<vmem_shared>>) dst(%dma_wait3A_57 : memref<625x128xf32, #tpu.memory_space<hbm>>)
        tpu.yield
      }) : () -> ()
    } else {
    }
    return
  }
}

module attributes {stable_mosaic.version = 14 : i64} {
  func.func @_k2_body(%arg0: i32, %arg1: memref<1000x256xf32, #tpu.memory_space<vmem>>, %arg2: memref<256x256xf32, #tpu.memory_space<vmem>>, %arg3: memref<1x256xf32, #tpu.memory_space<vmem>>, %arg4: memref<2x1000x128xf32, #tpu.memory_space<vmem>>, %arg5: memref<1000x128xf32, #tpu.memory_space<vmem>>, %arg6: memref<1000x128xf32, #tpu.memory_space<vmem>>, %arg7: memref<1000x256xf32, #tpu.memory_space<vmem>>) attributes {dimension_semantics = [#tpu.dimension_semantics<arbitrary>], iteration_bounds = array<i64: 10>, scalar_prefetch = 0 : i64, scratch_operands = 0 : i64, tpu.core_type = #tpu.core_type<tc>, window_params = [{transform_indices = @transform_0, window_bounds = array<i64: 1000, 256>}, {pipeline_mode = #tpu.pipeline_mode<synchronous>, transform_indices = @transform_1, window_bounds = array<i64: 256, 256>}, {pipeline_mode = #tpu.pipeline_mode<synchronous>, transform_indices = @transform_2, window_bounds = array<i64: 1, 256>}, {transform_indices = @transform_3, window_bounds = array<i64: 2, 1000, 128>}, {transform_indices = @transform_4, window_bounds = array<i64: 1000, 128>}, {transform_indices = @transform_5, window_bounds = array<i64: 1000, 128>}, {transform_indices = @transform_6, window_bounds = array<i64: 1000, 256>}]} {
    %get3A = arith.constant 0 : index
    %get3A_0 = arith.constant 0 : index
    %get3A_1 = vector.load %arg1[%get3A, %get3A_0] : memref<1000x256xf32, #tpu.memory_space<vmem>>, vector<1000x256xf32>
    %get3A_2 = arith.constant 0 : index
    %get3A_3 = arith.constant 0 : index
    %get3A_4 = vector.load %arg2[%get3A_2, %get3A_3] : memref<256x256xf32, #tpu.memory_space<vmem>>, vector<256x256xf32>
    %dot_general3A = arith.constant dense<0.000000e+00> : vector<1000x256xf32>
    %dot_general3A_5 = tpu.matmul %get3A_1, %get3A_4, %dot_general3A {dimension_numbers = #tpu.dot_dimension_numbers<[1], [0], [0], [1], [0, 0, 1, 1], [], []>, transpose_lhs_hint = false} : vector<1000x256xf32>, vector<256x256xf32>, vector<1000x256xf32> -> vector<1000x256xf32>
    %get3A_6 = arith.constant 0 : index
    %get3A_7 = arith.constant 0 : index
    %get3A_8 = arith.constant 0 : index
    %get3A_9 = vector.load %arg4[%get3A_6, %get3A_7, %get3A_8] : memref<2x1000x128xf32, #tpu.memory_space<vmem>>, vector<2x1000x128xf32>
    %slice3A = vector.extract_strided_slice %get3A_9 {offsets = [0, 0, 0], sizes = [1, 1000, 1], strides = [1, 1, 1]} : vector<2x1000x128xf32> to vector<1x1000x1xf32>
    %squeeze3A = vector.shape_cast %slice3A : vector<1x1000x1xf32> to vector<1000xf32>
    %slice3A_10 = vector.extract_strided_slice %get3A_9 {offsets = [1, 0, 0], sizes = [1, 1000, 1], strides = [1, 1, 1]} : vector<2x1000x128xf32> to vector<1x1000x1xf32>
    %squeeze3A_11 = vector.shape_cast %slice3A_10 : vector<1x1000x1xf32> to vector<1000xf32>
    %add3A = arith.addf %squeeze3A, %squeeze3A_11 : vector<1000xf32>
    %add3A_12 = arith.constant 1.000000e+00 : f32
    %add3A_13 = vector.broadcast %add3A_12 : f32 to vector<1000xf32>
    %add3A_14 = arith.addf %add3A, %add3A_13 : vector<1000xf32>
    %rsqrt3A = math.rsqrt %add3A_14 : vector<1000xf32>
    %broadcast_in_dim3A = vector.shape_cast %rsqrt3A : vector<1000xf32> to vector<1000x1xf32>
    %mul3A = vector.broadcast %broadcast_in_dim3A : vector<1000x1xf32> to vector<1000x256xf32>
    %mul3A_15 = arith.mulf %dot_general3A_5, %mul3A : vector<1000x256xf32>
    %slice3A_16 = vector.extract_strided_slice %mul3A_15 {offsets = [0, 0], sizes = [1000, 128], strides = [1, 1]} : vector<1000x256xf32> to vector<1000x128xf32>
    %swap3A = arith.constant 0 : index
    %swap3A_17 = arith.constant 0 : index
    %swap3A_18 = vector.load %arg5[%swap3A, %swap3A_17] : memref<1000x128xf32, #tpu.memory_space<vmem>>, vector<1000x128xf32>
    tpu.vector_store %arg5[%swap3A, %swap3A_17], %slice3A_16 {strides = array<i32>} : memref<1000x128xf32, #tpu.memory_space<vmem>>, vector<1000x128xf32>,
    %slice3A_19 = vector.extract_strided_slice %mul3A_15 {offsets = [0, 128], sizes = [1000, 128], strides = [1, 1]} : vector<1000x256xf32> to vector<1000x128xf32>
    %swap3A_20 = arith.constant 0 : index
    %swap3A_21 = arith.constant 0 : index
    %swap3A_22 = vector.load %arg6[%swap3A_20, %swap3A_21] : memref<1000x128xf32, #tpu.memory_space<vmem>>, vector<1000x128xf32>
    tpu.vector_store %arg6[%swap3A_20, %swap3A_21], %slice3A_19 {strides = array<i32>} : memref<1000x128xf32, #tpu.memory_space<vmem>>, vector<1000x128xf32>,
    %mul3A_23 = vector.broadcast %broadcast_in_dim3A : vector<1000x1xf32> to vector<1000x256xf32>
    %mul3A_24 = arith.mulf %mul3A_15, %mul3A_23 : vector<1000x256xf32>
    %get3A_25 = arith.constant 0 : index
    %get3A_26 = arith.constant 0 : index
    %get3A_27 = vector.load %arg3[%get3A_25, %get3A_26] : memref<1x256xf32, #tpu.memory_space<vmem>>, vector<1x256xf32>
    %add3A_28 = vector.broadcast %get3A_27 : vector<1x256xf32> to vector<1000x256xf32>
    %add3A_29 = arith.addf %mul3A_24, %add3A_28 : vector<1000x256xf32>
    %swap3A_30 = arith.constant 0 : index
    %swap3A_31 = arith.constant 0 : index
    %swap3A_32 = vector.load %arg7[%swap3A_30, %swap3A_31] : memref<1000x256xf32, #tpu.memory_space<vmem>>, vector<1000x256xf32>
    tpu.vector_store %arg7[%swap3A_30, %swap3A_31], %add3A_29 {strides = array<i32>} : memref<1000x256xf32, #tpu.memory_space<vmem>>, vector<1000x256xf32>,
    return
  }
  func.func @transform_0(%arg0: i32) -> (i32, i32) {
    %c0_i32 = arith.constant 0 : i32
    %c0_i32_0 = arith.constant 0 : i32
    return %arg0, %c0_i32 : i32, i32
  }
  func.func @transform_1(%arg0: i32) -> (i32, i32) {
    %c0_i32 = arith.constant 0 : i32
    %c0_i32_0 = arith.constant 0 : i32
    %c0_i32_1 = arith.constant 0 : i32
    return %c0_i32, %c0_i32_0 : i32, i32
  }
  func.func @transform_2(%arg0: i32) -> (i32, i32) {
    %c0_i32 = arith.constant 0 : i32
    %c0_i32_0 = arith.constant 0 : i32
    %c0_i32_1 = arith.constant 0 : i32
    return %c0_i32, %c0_i32_0 : i32, i32
  }
  func.func @transform_3(%arg0: i32) -> (i32, i32, i32) {
    %c0_i32 = arith.constant 0 : i32
    %c0_i32_0 = arith.constant 0 : i32
    %c0_i32_1 = arith.constant 0 : i32
    return %c0_i32, %arg0, %c0_i32_0 : i32, i32, i32
  }
  func.func @transform_4(%arg0: i32) -> (i32, i32) {
    %c0_i32 = arith.constant 0 : i32
    %c0_i32_0 = arith.constant 0 : i32
    return %arg0, %c0_i32 : i32, i32
  }
  func.func @transform_5(%arg0: i32) -> (i32, i32) {
    %c0_i32 = arith.constant 0 : i32
    %c0_i32_0 = arith.constant 0 : i32
    return %arg0, %c0_i32 : i32, i32
  }
  func.func @transform_6(%arg0: i32) -> (i32, i32) {
    %c0_i32 = arith.constant 0 : i32
    %c0_i32_0 = arith.constant 0 : i32
    return %arg0, %c0_i32 : i32, i32
  }
}

module attributes {stable_mosaic.version = 14 : i64} {
  func.func @_k4_body(%arg0: i32, %arg1: memref<1000x128xf32, #tpu.memory_space<vmem>>, %arg2: memref<1000x128xf32, #tpu.memory_space<vmem>>, %arg3: memref<1000x256xf32, #tpu.memory_space<vmem>>, %arg4: memref<2x1000x128xf32, #tpu.memory_space<vmem>>, %arg5: memref<256x256xf32, #tpu.memory_space<vmem>>, %arg6: memref<1x256xf32, #tpu.memory_space<vmem>>, %arg7: memref<1000x128xf32, #tpu.memory_space<vmem>>, %arg8: memref<1000x128xf32, #tpu.memory_space<vmem>>, %arg9: memref<1000x256xf32, #tpu.memory_space<vmem>>) attributes {dimension_semantics = [#tpu.dimension_semantics<arbitrary>], iteration_bounds = array<i64: 10>, scalar_prefetch = 0 : i64, scratch_operands = 0 : i64, tpu.core_type = #tpu.core_type<tc>, window_params = [{transform_indices = @transform_0, window_bounds = array<i64: 1000, 128>}, {transform_indices = @transform_1, window_bounds = array<i64: 1000, 128>}, {transform_indices = @transform_2, window_bounds = array<i64: 1000, 256>}, {transform_indices = @transform_3, window_bounds = array<i64: 2, 1000, 128>}, {pipeline_mode = #tpu.pipeline_mode<synchronous>, transform_indices = @transform_4, window_bounds = array<i64: 256, 256>}, {pipeline_mode = #tpu.pipeline_mode<synchronous>, transform_indices = @transform_5, window_bounds = array<i64: 1, 256>}, {transform_indices = @transform_6, window_bounds = array<i64: 1000, 128>}, {transform_indices = @transform_7, window_bounds = array<i64: 1000, 128>}, {transform_indices = @transform_8, window_bounds = array<i64: 1000, 256>}]} {
    %get3A = arith.constant 0 : index
    %get3A_0 = arith.constant 0 : index
    %get3A_1 = arith.constant 0 : index
    %get3A_2 = vector.load %arg4[%get3A, %get3A_0, %get3A_1] : memref<2x1000x128xf32, #tpu.memory_space<vmem>>, vector<2x1000x128xf32>
    %slice3A = vector.extract_strided_slice %get3A_2 {offsets = [0, 0, 0], sizes = [1, 1000, 1], strides = [1, 1, 1]} : vector<2x1000x128xf32> to vector<1x1000x1xf32>
    %squeeze3A = vector.shape_cast %slice3A : vector<1x1000x1xf32> to vector<1000xf32>
    %slice3A_3 = vector.extract_strided_slice %get3A_2 {offsets = [1, 0, 0], sizes = [1, 1000, 1], strides = [1, 1, 1]} : vector<2x1000x128xf32> to vector<1x1000x1xf32>
    %squeeze3A_4 = vector.shape_cast %slice3A_3 : vector<1x1000x1xf32> to vector<1000xf32>
    %add3A = arith.addf %squeeze3A, %squeeze3A_4 : vector<1000xf32>
    %add3A_5 = arith.constant 1.000000e+00 : f32
    %add3A_6 = vector.broadcast %add3A_5 : f32 to vector<1000xf32>
    %add3A_7 = arith.addf %add3A, %add3A_6 : vector<1000xf32>
    %rsqrt3A = math.rsqrt %add3A_7 : vector<1000xf32>
    %broadcast_in_dim3A = vector.shape_cast %rsqrt3A : vector<1000xf32> to vector<1000x1xf32>
    %get3A_8 = arith.constant 0 : index
    %get3A_9 = arith.constant 0 : index
    %get3A_10 = vector.load %arg1[%get3A_8, %get3A_9] : memref<1000x128xf32, #tpu.memory_space<vmem>>, vector<1000x128xf32>
    %get3A_11 = arith.constant 0 : index
    %get3A_12 = arith.constant 0 : index
    %get3A_13 = vector.load %arg2[%get3A_11, %get3A_12] : memref<1000x128xf32, #tpu.memory_space<vmem>>, vector<1000x128xf32>
    %concatenate3A = tpu.concatenate %get3A_10, %get3A_13 in 1 : vector<1000x128xf32>, vector<1000x128xf32> -> vector<1000x256xf32>
    %mul3A = vector.broadcast %broadcast_in_dim3A : vector<1000x1xf32> to vector<1000x256xf32>
    %mul3A_14 = arith.mulf %concatenate3A, %mul3A : vector<1000x256xf32>
    %get3A_15 = arith.constant 0 : index
    %get3A_16 = arith.constant 0 : index
    %get3A_17 = vector.load %arg3[%get3A_15, %get3A_16] : memref<1000x256xf32, #tpu.memory_space<vmem>>, vector<1000x256xf32>
    %add3A_18 = arith.addf %mul3A_14, %get3A_17 : vector<1000x256xf32>
    %max3A = arith.constant 0.000000e+00 : f32
    %max3A_19 = vector.broadcast %max3A : f32 to vector<1000x256xf32>
    %max3A_20 = arith.maximumf %add3A_18, %max3A_19 : vector<1000x256xf32>
    %get3A_21 = arith.constant 0 : index
    %get3A_22 = arith.constant 0 : index
    %get3A_23 = vector.load %arg5[%get3A_21, %get3A_22] : memref<256x256xf32, #tpu.memory_space<vmem>>, vector<256x256xf32>
    %dot_general3A = arith.constant dense<0.000000e+00> : vector<1000x256xf32>
    %dot_general3A_24 = tpu.matmul %max3A_20, %get3A_23, %dot_general3A {dimension_numbers = #tpu.dot_dimension_numbers<[1], [0], [0], [1], [0, 0, 1, 1], [], []>, transpose_lhs_hint = false} : vector<1000x256xf32>, vector<256x256xf32>, vector<1000x256xf32> -> vector<1000x256xf32>
    %mul3A_25 = vector.broadcast %broadcast_in_dim3A : vector<1000x1xf32> to vector<1000x256xf32>
    %mul3A_26 = arith.mulf %dot_general3A_24, %mul3A_25 : vector<1000x256xf32>
    %slice3A_27 = vector.extract_strided_slice %mul3A_26 {offsets = [0, 0], sizes = [1000, 128], strides = [1, 1]} : vector<1000x256xf32> to vector<1000x128xf32>
    %swap3A = arith.constant 0 : index
    %swap3A_28 = arith.constant 0 : index
    %swap3A_29 = vector.load %arg7[%swap3A, %swap3A_28] : memref<1000x128xf32, #tpu.memory_space<vmem>>, vector<1000x128xf32>
    tpu.vector_store %arg7[%swap3A, %swap3A_28], %slice3A_27 {strides = array<i32>} : memref<1000x128xf32, #tpu.memory_space<vmem>>, vector<1000x128xf32>,
    %slice3A_30 = vector.extract_strided_slice %mul3A_26 {offsets = [0, 128], sizes = [1000, 128], strides = [1, 1]} : vector<1000x256xf32> to vector<1000x128xf32>
    %swap3A_31 = arith.constant 0 : index
    %swap3A_32 = arith.constant 0 : index
    %swap3A_33 = vector.load %arg8[%swap3A_31, %swap3A_32] : memref<1000x128xf32, #tpu.memory_space<vmem>>, vector<1000x128xf32>
    tpu.vector_store %arg8[%swap3A_31, %swap3A_32], %slice3A_30 {strides = array<i32>} : memref<1000x128xf32, #tpu.memory_space<vmem>>, vector<1000x128xf32>,
    %mul3A_34 = vector.broadcast %broadcast_in_dim3A : vector<1000x1xf32> to vector<1000x256xf32>
    %mul3A_35 = arith.mulf %mul3A_26, %mul3A_34 : vector<1000x256xf32>
    %get3A_36 = arith.constant 0 : index
    %get3A_37 = arith.constant 0 : index
    %get3A_38 = vector.load %arg6[%get3A_36, %get3A_37] : memref<1x256xf32, #tpu.memory_space<vmem>>, vector<1x256xf32>
    %add3A_39 = vector.broadcast %get3A_38 : vector<1x256xf32> to vector<1000x256xf32>
    %add3A_40 = arith.addf %mul3A_35, %add3A_39 : vector<1000x256xf32>
    %swap3A_41 = arith.constant 0 : index
    %swap3A_42 = arith.constant 0 : index
    %swap3A_43 = vector.load %arg9[%swap3A_41, %swap3A_42] : memref<1000x256xf32, #tpu.memory_space<vmem>>, vector<1000x256xf32>
    tpu.vector_store %arg9[%swap3A_41, %swap3A_42], %add3A_40 {strides = array<i32>} : memref<1000x256xf32, #tpu.memory_space<vmem>>, vector<1000x256xf32>,
    return
  }
  func.func @transform_0(%arg0: i32) -> (i32, i32) {
    %c0_i32 = arith.constant 0 : i32
    %c0_i32_0 = arith.constant 0 : i32
    return %arg0, %c0_i32 : i32, i32
  }
  func.func @transform_1(%arg0: i32) -> (i32, i32) {
    %c0_i32 = arith.constant 0 : i32
    %c0_i32_0 = arith.constant 0 : i32
    return %arg0, %c0_i32 : i32, i32
  }
  func.func @transform_2(%arg0: i32) -> (i32, i32) {
    %c0_i32 = arith.constant 0 : i32
    %c0_i32_0 = arith.constant 0 : i32
    return %arg0, %c0_i32 : i32, i32
  }
  func.func @transform_3(%arg0: i32) -> (i32, i32, i32) {
    %c0_i32 = arith.constant 0 : i32
    %c0_i32_0 = arith.constant 0 : i32
    %c0_i32_1 = arith.constant 0 : i32
    return %c0_i32, %arg0, %c0_i32_0 : i32, i32, i32
  }
  func.func @transform_4(%arg0: i32) -> (i32, i32) {
    %c0_i32 = arith.constant 0 : i32
    %c0_i32_0 = arith.constant 0 : i32
    %c0_i32_1 = arith.constant 0 : i32
    return %c0_i32, %c0_i32_0 : i32, i32
  }
  func.func @transform_5(%arg0: i32) -> (i32, i32) {
    %c0_i32 = arith.constant 0 : i32
    %c0_i32_0 = arith.constant 0 : i32
    %c0_i32_1 = arith.constant 0 : i32
    return %c0_i32, %c0_i32_0 : i32, i32
  }
  func.func @transform_6(%arg0: i32) -> (i32, i32) {
    %c0_i32 = arith.constant 0 : i32
    %c0_i32_0 = arith.constant 0 : i32
    return %arg0, %c0_i32 : i32, i32
  }
  func.func @transform_7(%arg0: i32) -> (i32, i32) {
    %c0_i32 = arith.constant 0 : i32
    %c0_i32_0 = arith.constant 0 : i32
    return %arg0, %c0_i32 : i32, i32
  }
  func.func @transform_8(%arg0: i32) -> (i32, i32) {
    %c0_i32 = arith.constant 0 : i32
    %c0_i32_0 = arith.constant 0 : i32
    return %arg0, %c0_i32 : i32, i32
  }
}

module attributes {stable_mosaic.version = 14 : i64} {
  func.func @_k6_body(%arg0: i32, %arg1: memref<1000x128xf32, #tpu.memory_space<vmem>>, %arg2: memref<1000x128xf32, #tpu.memory_space<vmem>>, %arg3: memref<1000x256xf32, #tpu.memory_space<vmem>>, %arg4: memref<2x1000x128xf32, #tpu.memory_space<vmem>>, %arg5: memref<256x2xf32, #tpu.memory_space<vmem>>, %arg6: memref<1x2xf32, #tpu.memory_space<vmem>>, %arg7: memref<1x2xf32, #tpu.memory_space<vmem>>, %arg8: memref<1x256xf32, #tpu.memory_space<vmem>>) attributes {dimension_semantics = [#tpu.dimension_semantics<arbitrary>], iteration_bounds = array<i64: 10>, scalar_prefetch = 0 : i64, scratch_operands = 1 : i64, tpu.core_type = #tpu.core_type<tc>, window_params = [{transform_indices = @transform_0, window_bounds = array<i64: 1000, 128>}, {transform_indices = @transform_1, window_bounds = array<i64: 1000, 128>}, {transform_indices = @transform_2, window_bounds = array<i64: 1000, 256>}, {transform_indices = @transform_3, window_bounds = array<i64: 2, 1000, 128>}, {pipeline_mode = #tpu.pipeline_mode<synchronous>, transform_indices = @transform_4, window_bounds = array<i64: 256, 2>}, {pipeline_mode = #tpu.pipeline_mode<synchronous>, transform_indices = @transform_5, window_bounds = array<i64: 1, 2>}, {pipeline_mode = #tpu.pipeline_mode<synchronous>, transform_indices = @transform_6, window_bounds = array<i64: 1, 2>}]} {
    %eq3A = arith.constant 0 : i32
    %eq3A_0 = arith.cmpi eq, %arg0, %eq3A : i32
    %convert_element_type3A = arith.extui %eq3A_0 : i1 to i32
    %cond3A = arith.constant 0 : i32
    %cond3A_1 = arith.cmpi ne, %convert_element_type3A, %cond3A : i32
    scf.if %cond3A_1 {
      %broadcast_in_dim3A_36 = arith.constant 0.000000e+00 : f32
      %broadcast_in_dim3A_37 = vector.broadcast %broadcast_in_dim3A_36 : f32 to vector<1x256xf32>
      %swap3A_38 = arith.constant 0 : index
      %swap3A_39 = arith.constant 0 : index
      %swap3A_40 = vector.load %arg8[%swap3A_38, %swap3A_39] : memref<1x256xf32, #tpu.memory_space<vmem>>, vector<1x256xf32>
      tpu.vector_store %arg8[%swap3A_38, %swap3A_39], %broadcast_in_dim3A_37 {strides = array<i32>} : memref<1x256xf32, #tpu.memory_space<vmem>>, vector<1x256xf32>,
    } else {
    }
    %get3A = arith.constant 0 : index
    %get3A_2 = arith.constant 0 : index
    %get3A_3 = arith.constant 0 : index
    %get3A_4 = vector.load %arg4[%get3A, %get3A_2, %get3A_3] : memref<2x1000x128xf32, #tpu.memory_space<vmem>>, vector<2x1000x128xf32>
    %slice3A = vector.extract_strided_slice %get3A_4 {offsets = [0, 0, 0], sizes = [1, 1000, 1], strides = [1, 1, 1]} : vector<2x1000x128xf32> to vector<1x1000x1xf32>
    %squeeze3A = vector.shape_cast %slice3A : vector<1x1000x1xf32> to vector<1000xf32>
    %slice3A_5 = vector.extract_strided_slice %get3A_4 {offsets = [1, 0, 0], sizes = [1, 1000, 1], strides = [1, 1, 1]} : vector<2x1000x128xf32> to vector<1x1000x1xf32>
    %squeeze3A_6 = vector.shape_cast %slice3A_5 : vector<1x1000x1xf32> to vector<1000xf32>
    %add3A = arith.addf %squeeze3A, %squeeze3A_6 : vector<1000xf32>
    %add3A_7 = arith.constant 1.000000e+00 : f32
    %add3A_8 = vector.broadcast %add3A_7 : f32 to vector<1000xf32>
    %add3A_9 = arith.addf %add3A, %add3A_8 : vector<1000xf32>
    %rsqrt3A = math.rsqrt %add3A_9 : vector<1000xf32>
    %broadcast_in_dim3A = vector.shape_cast %rsqrt3A : vector<1000xf32> to vector<1000x1xf32>
    %get3A_10 = arith.constant 0 : index
    %get3A_11 = arith.constant 0 : index
    %get3A_12 = vector.load %arg1[%get3A_10, %get3A_11] : memref<1000x128xf32, #tpu.memory_space<vmem>>, vector<1000x128xf32>
    %get3A_13 = arith.constant 0 : index
    %get3A_14 = arith.constant 0 : index
    %get3A_15 = vector.load %arg2[%get3A_13, %get3A_14] : memref<1000x128xf32, #tpu.memory_space<vmem>>, vector<1000x128xf32>
    %concatenate3A = tpu.concatenate %get3A_12, %get3A_15 in 1 : vector<1000x128xf32>, vector<1000x128xf32> -> vector<1000x256xf32>
    %mul3A = vector.broadcast %broadcast_in_dim3A : vector<1000x1xf32> to vector<1000x256xf32>
    %mul3A_16 = arith.mulf %concatenate3A, %mul3A : vector<1000x256xf32>
    %get3A_17 = arith.constant 0 : index
    %get3A_18 = arith.constant 0 : index
    %get3A_19 = vector.load %arg3[%get3A_17, %get3A_18] : memref<1000x256xf32, #tpu.memory_space<vmem>>, vector<1000x256xf32>
    %add3A_20 = arith.addf %mul3A_16, %get3A_19 : vector<1000x256xf32>
    %max3A = arith.constant 0.000000e+00 : f32
    %max3A_21 = vector.broadcast %max3A : f32 to vector<1000x256xf32>
    %max3A_22 = arith.maximumf %add3A_20, %max3A_21 : vector<1000x256xf32>
    %get3A_23 = arith.constant 0 : index
    %get3A_24 = arith.constant 0 : index
    %get3A_25 = vector.load %arg8[%get3A_23, %get3A_24] : memref<1x256xf32, #tpu.memory_space<vmem>>, vector<1x256xf32>
    %reduce_sum3A = arith.constant dense<0.000000e+00> : vector<256xf32>
    %reduce_sum3A_26 = vector.multi_reduction <add>, %max3A_22, %reduce_sum3A [0] : vector<1000x256xf32> to vector<256xf32>
    %broadcast_in_dim3A_27 = vector.shape_cast %reduce_sum3A_26 : vector<256xf32> to vector<1x256xf32>
    %add3A_28 = arith.addf %get3A_25, %broadcast_in_dim3A_27 : vector<1x256xf32>
    %swap3A = arith.constant 0 : index
    %swap3A_29 = arith.constant 0 : index
    %swap3A_30 = vector.load %arg8[%swap3A, %swap3A_29] : memref<1x256xf32, #tpu.memory_space<vmem>>, vector<1x256xf32>
    tpu.vector_store %arg8[%swap3A, %swap3A_29], %add3A_28 {strides = array<i32>} : memref<1x256xf32, #tpu.memory_space<vmem>>, vector<1x256xf32>,
    %eq3A_31 = arith.constant 9 : i32
    %eq3A_32 = arith.cmpi eq, %arg0, %eq3A_31 : i32
    %convert_element_type3A_33 = arith.extui %eq3A_32 : i1 to i32
    %cond3A_34 = arith.constant 0 : i32
    %cond3A_35 = arith.cmpi ne, %convert_element_type3A_33, %cond3A_34 : i32
    scf.if %cond3A_35 {
      %get3A_36 = arith.constant 0 : index
      %get3A_37 = arith.constant 0 : index
      %get3A_38 = vector.load %arg8[%get3A_36, %get3A_37] : memref<1x256xf32, #tpu.memory_space<vmem>>, vector<1x256xf32>
      %mul3A_39 = arith.constant 9.99999974E-5 : f32
      %mul3A_40 = vector.broadcast %mul3A_39 : f32 to vector<1x256xf32>
      %mul3A_41 = arith.mulf %get3A_38, %mul3A_40 : vector<1x256xf32>
      %get3A_42 = arith.constant 0 : index
      %get3A_43 = arith.constant 0 : index
      %get3A_44 = vector.load %arg5[%get3A_42, %get3A_43] : memref<256x2xf32, #tpu.memory_space<vmem>>, vector<256x2xf32>
      %dot_general3A = arith.constant dense<0.000000e+00> : vector<1x2xf32>
      %dot_general3A_45 = tpu.matmul %mul3A_41, %get3A_44, %dot_general3A {dimension_numbers = #tpu.dot_dimension_numbers<[1], [0], [0], [1], [0, 0, 1, 1], [], []>, transpose_lhs_hint = false} : vector<1x256xf32>, vector<256x2xf32>, vector<1x2xf32> -> vector<1x2xf32>
      %get3A_46 = arith.constant 0 : index
      %get3A_47 = arith.constant 0 : index
      %get3A_48 = vector.load %arg6[%get3A_46, %get3A_47] : memref<1x2xf32, #tpu.memory_space<vmem>>, vector<1x2xf32>
      %add3A_49 = arith.addf %dot_general3A_45, %get3A_48 : vector<1x2xf32>
      %reduce_max3A = arith.constant dense<0xFF800000> : vector<1xf32>
      %reduce_max3A_50 = vector.multi_reduction <maximumf>, %add3A_49, %reduce_max3A [1] : vector<1x2xf32> to vector<1xf32>
      %broadcast_in_dim3A_51 = vector.shape_cast %reduce_max3A_50 : vector<1xf32> to vector<1x1xf32>
      %sub3A = vector.broadcast %broadcast_in_dim3A_51 : vector<1x1xf32> to vector<1x2xf32>
      %sub3A_52 = arith.subf %add3A_49, %sub3A : vector<1x2xf32>
      %exp3A = math.exp %sub3A_52 : vector<1x2xf32>
      %reduce_sum3A_53 = arith.constant dense<0.000000e+00> : vector<1xf32>
      %reduce_sum3A_54 = vector.multi_reduction <add>, %exp3A, %reduce_sum3A_53 [1] : vector<1x2xf32> to vector<1xf32>
      %broadcast_in_dim3A_55 = vector.shape_cast %reduce_sum3A_54 : vector<1xf32> to vector<1x1xf32>
      %log3A = math.log %broadcast_in_dim3A_55 : vector<1x1xf32>
      %sub3A_56 = vector.broadcast %log3A : vector<1x1xf32> to vector<1x2xf32>
      %sub3A_57 = arith.subf %sub3A_52, %sub3A_56 : vector<1x2xf32>
      %swap3A_58 = arith.constant 0 : index
      %swap3A_59 = arith.constant 0 : index
      %swap3A_60 = vector.load %arg7[%swap3A_58, %swap3A_59] : memref<1x2xf32, #tpu.memory_space<vmem>>, vector<1x2xf32>
      tpu.vector_store %arg7[%swap3A_58, %swap3A_59], %sub3A_57 {strides = array<i32>} : memref<1x2xf32, #tpu.memory_space<vmem>>, vector<1x2xf32>,
    } else {
    }
    return
  }
  func.func @transform_0(%arg0: i32) -> (i32, i32) {
    %c0_i32 = arith.constant 0 : i32
    %c0_i32_0 = arith.constant 0 : i32
    return %arg0, %c0_i32 : i32, i32
  }
  func.func @transform_1(%arg0: i32) -> (i32, i32) {
    %c0_i32 = arith.constant 0 : i32
    %c0_i32_0 = arith.constant 0 : i32
    return %arg0, %c0_i32 : i32, i32
  }
  func.func @transform_2(%arg0: i32) -> (i32, i32) {
    %c0_i32 = arith.constant 0 : i32
    %c0_i32_0 = arith.constant 0 : i32
    return %arg0, %c0_i32 : i32, i32
  }
  func.func @transform_3(%arg0: i32) -> (i32, i32, i32) {
    %c0_i32 = arith.constant 0 : i32
    %c0_i32_0 = arith.constant 0 : i32
    %c0_i32_1 = arith.constant 0 : i32
    return %c0_i32, %arg0, %c0_i32_0 : i32, i32, i32
  }
  func.func @transform_4(%arg0: i32) -> (i32, i32) {
    %c0_i32 = arith.constant 0 : i32
    %c0_i32_0 = arith.constant 0 : i32
    %c0_i32_1 = arith.constant 0 : i32
    return %c0_i32, %c0_i32_0 : i32, i32
  }
  func.func @transform_5(%arg0: i32) -> (i32, i32) {
    %c0_i32 = arith.constant 0 : i32
    %c0_i32_0 = arith.constant 0 : i32
    %c0_i32_1 = arith.constant 0 : i32
    return %c0_i32, %c0_i32_0 : i32, i32
  }
  func.func @transform_6(%arg0: i32) -> (i32, i32) {
    %c0_i32 = arith.constant 0 : i32
    %c0_i32_0 = arith.constant 0 : i32
    %c0_i32_1 = arith.constant 0 : i32
    return %c0_i32, %c0_i32_0 : i32, i32
  }
}

</mosaic_0001>

<sc_bundles>
// kernel: kernel.11.cloned.1.call-start
scs
__scs_entry_jumppad:
0x0: {  	(pc) =	sbr.rel $0x88, $3  }
0x1: {  	(tag) =	ssettag $0x0;
	lr =	simm.s32 $0x1  }
0x2: {  	[smem:$0x3F99] =	sst lr;
	_ =	strace $0xD0000000  }
0x3: {  	_ = 	snop  }
0x4: {  	_ = 	snop  }
0x5: {  	_ = 	snop  }
0x6: {  	_ = 	snop  }
0x7: {  	_ = 	snop  }
__scs_overlays_trampoline_lowered:
0x8: {  	[smem:$0x3FA8] =	sst s0  }
0x9: {  	[smem:$0x3FA9] =	sst s1  }
0xa: {  	[smem:$0x3FAA] =	sst s2  }
0xb: {  	[smem:$0x3FAB] =	sst s3  }
0xc: {  	[smem:$0x3FAC] =	sst s4  }
0xd: {  	[smem:$0x3FAD] =	sst s5  }
0xe: {  	[smem:$0x3FAE] =	sst s6  }
0xf: {  	[smem:$0x3FAF] =	sst s7  }
0x10: {  	[smem:$0x3FB0] =	sst s8  }
0x11: {  	[smem:$0x3FB1] =	sst s9;
	s0 =	simm.s32 @!p0 $0x0  }
0x12: {  	s1 =	sld [smem:$0x3F97];
	s0 =	simm.s32 @p0 $0x1  }
0x13: {  	[smem:$0x3FB2] =	sst s0;
	s0 =	simm.s32 @!p1 $0x0  }
0x14: {  	s2 =	sld [smem:$0x3F96];
	s0 =	simm.s32 @p1 $0x1  }
0x15: {  	[smem:$0x3FB3] =	sst s0;
	s0 =	simm.s32 @!p2 $0x0  }
0x16: {  	s3 =	sld [smem:$0x3FDB];
	s0 =	simm.s32 @p2 $0x1  }
0x17: {  	s4 =	simm.s32 $0x1BF5;
	[smem:$0x3FB5] =	sst s0  }
0x18: {  	s0 =	sld [smem:$0x3F98];
	_ =	swait.ge [sflag:s4], $0x0  }
0x19: {  	s7 =	sld [smem:$0x3F99]  }
0x1a: {  	s8 =	sadd.s32 $0xFFFFE003, lr  }
0x1b: {  	s9 =	sadd.s32 $0xFFFFFEF7, lr;
	s5 =	simm.s32 $0xFFFFFFFF;
	p2 =	slt.u32 s8, $0xFFFFF086  }
0x1c: {  	p1 =	slt.u32 s9, $0xF7A;
	s5 =	simm.s32 @!p2 $0x0  }
0x1d: {  	s5 =	simm.s32 @p1 $0x1;
	p0 =	seq.s32 s7, s2  }
0x1e: {  	s7 =	smul.u32 @!p0 $0xF7A, s2;
	p2 =	seq.s32 @!p0 s5, $0x0  }
0x1f: {  	s9 =	smul.u32 $0xF7A, s1;
	s8 =	simm.s32 @!p0 $0x1BF5;
	p2 =	por !p2, p0  }
0x20: {  	[sflag:s8] =	ssyncset.s32 @!p0 $0xFFFFF086;
	s6 =	sadd.s32 @!p0 s3, s7;
	s7 =	simm.s32 @!p0 $0x108  }
0x21: {  	s3 =	sadd.s32 s3, s9;
	s6 =	sadd.s32 @!p0 $0x88, s6;
	s7 =	simm.s32 @p2 $0x1082  }
0x22: {  	[simem:s7], [sflag:s8] =	dma.local @!p0 [hbm:s6], $0xF7A  }
0x23: {  	s9 =	sor.u32 $0xD0000000, s2;
	s6 =	simm.s32 $0x108;
	_ =	swait.ge @!p0 [sflag:s8], $0x0  }
0x24: {  	s3 =	sadd.s32 $0x88, s3;
	s6 =	simm.s32 @!p1 $0x1082;
	[sflag:s4] =	ssyncset.s32 $0xFFFFF086  }
0x25: {  	[simem:s6], [sflag:s4] =	dma.local [hbm:s3], $0xF7A  }
0x26: {  	[smem:$0x3F99] =	sst s1;
	(tag) =	ssettag s2;
	_ =	strace s9  }
0x27: {  	s1 =	sld [smem:$0x3FA9]  }
0x28: {  	s2 =	sld [smem:$0x3FAA]  }
0x29: {  	s4 =	sld [smem:$0x3FAC]  }
0x2a: {  	p0 =	seq.s32 s5, $0x0;
	s5 =	sld [smem:$0x3FAD]  }
0x2b: {  	s6 =	sld [smem:$0x3FAE]  }
0x2c: {  	s7 =	sld [smem:$0x3FAF]  }
0x2d: {  	s3 =	simm.s32 $0x108;
	s8 =	sld [smem:$0x3FB0]  }
0x2e: {  	s3 =	simm.s32 @!p0 $0x1082;
	s9 =	sld [smem:$0x3FB1]  }
0x2f: {  	lr =	sadd.s32 s0, s3;
	s0 =	sld [smem:$0x3FA8]  }
0x30: {  	s3 =	sld [smem:$0x3FAB]  }
0x31: {  	[smem:$0x3FB4] =	sst s10  }
0x32: {  	s10 =	sld [smem:$0x3FB2];
	_ =	sdelay $0x3  }
0x33: {  	p0 =	seq.s32 s10, $0x1;
	s10 =	sld [smem:$0x3FB4];
	_ =	sdelay $0x3  }
0x34: {  	[smem:$0x3FB4] =	sst s10  }
0x35: {  	s10 =	sld [smem:$0x3FB3];
	_ =	sdelay $0x3  }
0x36: {  	p1 =	seq.s32 s10, $0x1;
	s10 =	sld [smem:$0x3FB4];
	_ =	sdelay $0x3  }
0x37: {  	[smem:$0x3FB4] =	sst s10  }
0x38: {  	s10 =	sld [smem:$0x3FB5]  }
0x39: {  	_ = 	snop;
	(pc) =	sbr.ind lr, $3  }
0x3a: {  	_ = 	snop  }
0x3b: {  	_ = 	snop  }
0x3c: {  	p2 =	seq.s32 s10, $0x1;
	s10 =	sld [smem:$0x3FB4]  }
0x3d: {  	_ =	shalt  }
0x3e: {  	_ =	shalt  }
0x3f: {  	_ =	shalt  }
0x40: {  	_ =	shalt  }
0x41: {  	_ =	shalt  }
0x42: {  	_ =	shalt  }
0x43: {  	_ =	shalt  }
0x44: {  	_ =	shalt  }
0x45: {  	_ =	shalt  }
0x46: {  	_ =	shalt  }
0x47: {  	_ =	shalt  }
0x48: {  	_ =	shalt  }
0x49: {  	_ =	shalt  }
0x4a: {  	_ =	shalt  }
0x4b: {  	_ =	shalt  }
0x4c: {  	_ =	shalt  }
0x4d: {  	_ =	shalt  }
0x4e: {  	_ =	shalt  }
0x4f: {  	_ =	shalt  }
0x50: {  	_ =	shalt  }
0x51: {  	_ =	shalt  }
0x52: {  	_ =	shalt  }
0x53: {  	_ =	shalt  }
0x54: {  	_ =	shalt  }
0x55: {  	_ =	shalt  }
0x56: {  	_ =	shalt  }
0x57: {  	_ =	shalt  }
0x58: {  	_ =	shalt  }
0x59: {  	_ =	shalt  }
0x5a: {  	_ =	shalt  }
0x5b: {  	_ =	shalt  }
0x5c: {  	_ =	shalt  }
0x5d: {  	_ =	shalt  }
0x5e: {  	_ =	shalt  }
0x5f: {  	_ =	shalt  }
0x60: {  	_ =	shalt  }
0x61: {  	_ =	shalt  }
0x62: {  	_ =	shalt  }
0x63: {  	_ =	shalt  }
0x64: {  	_ =	shalt  }
0x65: {  	_ =	shalt  }
0x66: {  	_ =	shalt  }
0x67: {  	_ =	shalt  }
0x68: {  	_ =	shalt  }
0x69: {  	_ =	shalt  }
0x6a: {  	_ =	shalt  }
0x6b: {  	_ =	shalt  }
0x6c: {  	_ =	shalt  }
0x6d: {  	_ =	shalt  }
0x6e: {  	_ =	shalt  }
0x6f: {  	_ =	shalt  }
0x70: {  	_ =	shalt  }
0x71: {  	_ =	shalt  }
0x72: {  	_ =	shalt  }
0x73: {  	_ =	shalt  }
0x74: {  	_ =	shalt  }
0x75: {  	_ =	shalt  }
0x76: {  	_ =	shalt  }
0x77: {  	_ =	shalt  }
0x78: {  	_ =	shalt  }
0x79: {  	_ =	shalt  }
0x7a: {  	_ =	shalt  }
0x7b: {  	_ =	shalt  }
0x7c: {  	_ =	shalt  }
0x7d: {  	_ =	shalt  }
0x7e: {  	_ =	shalt  }
0x7f: {  	_ =	shalt  }
0x80: {  	_ =	shalt  }
0x81: {  	_ =	shalt  }
0x82: {  	_ =	shalt  }
0x83: {  	_ =	shalt  }
0x84: {  	_ =	shalt  }
0x85: {  	_ =	shalt  }
0x86: {  	_ =	shalt  }
0x87: {  	_ =	shalt  }
.Lfunc_end0:
.L_simem_size_0:
called_computation.1_lowered:
.L_overlay_start_0:
0x88: {  	s2 =	sld [smem:$0x3FD9]  }
0x89: {  	s3 =	sld [smem:$0x3FFE];
	_ =	sdelay $0x1  }
0x8a: {  	s1 =	srdreg.scid  }
0x8b: {  	s0 =	sand.u32 $0x1, s1  }
0x8c: {  	s16 =	sshll.u32 s0, $0xA;
	s2 =	sadd.s32 s3, s2  }
0x8d: {  	s2 =	sadd.s32 s2, s16  }
0x8e: {  	[smem:$0x3FC0] =	sst s2  }
0x8f: {  	_ = 	snop  }
0x90: {  	(tm) =	ssettm $0x1  }
0x91: {  	s17 =	sld [smem:$0x3FFB];
	_ =	sdelay $0x3  }
0x92: {  	_ =	strace s17  }
0x93: {  	s2 =	sld [smem:$0x3FFC];
	_ =	sdelay $0x3  }
0x94: {  	_ =	strace s2  }
0x95: {  	s2 =	sld [smem:$0x3FFD];
	_ =	sdelay $0x3  }
0x96: {  	_ =	strace s2  }
0x97: {  	_ =	strace $0x8FFFFFFF  }
0x98: {  	s18 =	sld [smem:$0x3FDB];
	_ =	sdelay $0x1  }
0x99: {  	s19 =	simm.s32 $_scs_section_size  }
0x9a: {  	s4 =	simm.s32 $_size__tile_overlayer_lowered;
	s5 =	simm.s32 $_tile_overlayer_lowered  }
0x9b: {  	s22 =	simm.s32 $0x1BFF;
	s21 =	sshll.u32 s5, $0x1;
	s2 =	sadd.s32 s19, s18  }
0x9c: {  	s6 =	simm.s32 $0x0;
	s20 =	sshll.u32 s4, $0x1;
	s4 =	sadd.s32 s21, s2  }
0x9d: {  	[timem:s6], [sflag:s22] =	dma.local [hbm:s4], s20  }
0x9e: {  	_ =	swait.ge [sflag:s22], s20  }
0x9f: {  	s3 =	ssub.s32 $0x0, s20;
	[sflag:s22] =	ssyncset.done $0x0  }
0xa0: {  	[sflag:s22] =	ssyncadd.s32 s3;
	_ =	sdelay $0x1  }
0xa1: {  	s23 =	simm.s32 $0x1B8B  }
0xa2: {  	_ =	swait.ge [sflag:s23], $0x1  }
0xa3: {  	[sflag:s23] =	ssyncset.done $0x0  }
0xa4: {  	s25 =	simm.s32 $0x1B8E;
	s24 =	sld [smem:$0x3FFE];
	[sflag:s23] =	ssyncadd.s32 $0xFFFFFFFF  }
0xa5: {  	s26 =	simm.s32 $execute0_lowered;
	[smem:$0x3FD2] =	sst s25  }
0xa6: {  	s4 =	sshll.u32 s26, $0x1;
	_ =	strace $0x80000049;
	[dreg:$0x1] =	wrdreg $0xFFFFFFFF  }
0xa7: {  	s28 =	simm.s32 $_size_execute0_lowered;
	s2 =	sadd.s32 s2, s4;
	[dreg:$0x0] =	wrdreg $0x0  }
0xa8: {  	s4 =	sshll.u32 s28, $0x1;
	[dreg:$0x2] =	wrdreg s2  }
0xa9: {  	[dreg:$0x3] =	wrdreg s4  }
0xaa: {  	[dreg:$0x4] =	wrdreg $0xC0  }
0xab: {  	_ =	task [dreg:s6], $0x5FFFF  }
0xac: {  	[dreg:$0x1] =	wrdreg $0xFFFFFFFF  }
0xad: {  	[dreg:$0x0] =	wrdreg $0x60  }
0xae: {  	[dreg:$0x2] =	wrdreg s24  }
0xaf: {  	[dreg:$0x3] =	wrdreg $0xB7800  }
0xb0: {  	[dreg:$0x4] =	wrdreg $0x9  }
0xb1: {  	_ =	task.clear_ibuf [dreg:s6], $0x5FFFF;
	_ =	strace $0x90000049  }
0xb2: {  	s29 =	simm.s32 $0x9;
	_ =	strace $0x8000004B  }
0xb3: {  	_ =	swait.ge [sflag:s29], $0x1  }
0xb4: {  	[sflag:s29] =	ssyncadd.s32 $0xFFFFFFFF  }
0xb5: {  	_ =	strace $0x9000004B  }
0xb6: {  	_ =	sfence  }
0xb7: {  	s30 =	sld [smem:$0x0];
	_ =	sdelay $0x2  }
0xb8: {  	s31 =	sshll.u32 s1, $0xD;
	s1 =	sshrl.u32 s1, $0x2  }
0xb9: {  	s3 =	sand.u32 $0x4000, s31;
	s1 =	sadd.s32 s1, s30  }
0xba: {  	s0 =	sor.u32 s3, s0;
	s1 =	sshll.u32 s1, $0x11  }
0xbb: {  	s0 =	sor.u32 s1, s0  }
0xbc: {  	s0 =	sadd.s32 $0x8F2B, s0  }
0xbd: {  	[sflag:s0] =	ssyncadd.remote.s32 $0x1  }
0xbe: {  	_ =	sfence.sel $0xFFFF  }
0xbf: {  	[dreg:$0x0] =	wrdreg $0xFFFFFFFF;
	(pc) =	sbr.abs _section_cstart, $3  }
0xc0: {  	[dreg:$0x1] =	wrdreg $0xFFFFFFFF  }
0xc1: {  	_ =	task.clear_ibuf [dreg:s6], $0x2FFFF;
	_ =	strace $0x9FFFFFFF  }
0xc2: {  	(tm) =	ssettm $0x7FFFFFFF  }
0xc3: {  	_ =	shalt  }
tec
execute0_lowered:
.L_overlay_start_1:
0x0: {  	(tag) =	ssettag $0x1  }
0x1: {  	s8 =	rddreg [dreg:$0x0]  }
0x2: {  	s2 =	rddreg [dreg:$0x1]  }
0x3: {  	s1 =	stileid.u32;
	s0 =	rddreg [dreg:$0x2];
	s3 =	simm.s32 $0x0  }
0x4: {  	s7 =	srdreg.scid;
	s15 =	simm.s32 $0x5;
	s16 =	simm.s32 $0x2780  }
0x5: {  	s19 =	simm.s32 $0x50;
	s20 =	simm.s32 $0x6780;
	s21 =	simm.s32 $0x1  }
0x6: {  	s22 =	simm.s32 $0x8F80;
	s23 =	simm.s32 $0x2;
	s24 =	simm.s32 $0x3  }
0x7: {  	s25 =	simm.s32 $0x4;
	s26 =	simm.s32 $0x0;
	s4 =	sshrl.u32 s1, $0x3  }
0x8: {  	s29 =	sshll.u32 s1, $0x7;
	[smem:$0x7FF] =	sst s3;
	s30 =	sshll.u32 s1, $0xB  }
0x9: {  	s11 =	sand.u32 $0x1, s7;
	s7 =	sadd.s32 $0x103800, s8;
	s14 =	smul.u32 $0x4E200, s1  }
0xa: {  	s17 =	sshll.u32 s1, $0x6;
	s5 =	smul.u32 $0x13C00, s4;
	s6 =	sand.u32 $0x380, s29  }
0xb: {  	_ =	strace $0x8000004A;
	s4 =	sadd.s32 $0xAC00, s8;
	s10 =	sadd.s32 s30, s8  }
0xc: {  	s12 =	ssub.s32 $0x2, s11;
	p0 =	seq.s32 s11, $0x1;
	s11 =	smul.u32 $0x2780, s1  }
0xd: {  	s17 =	sor.u32 $0x1C05, s17;
	s13 =	sshrl.u32 s12, $0x1;
	s10 =	sadd.s32 $0x5A400, s10  }
.Ltmp0:
0xe: {  	s31 =	sshrl.u32 s14, $0x2;
	s14 =	simm.s32 $0x400;
	(pc) =	sbr.rel .LBB2_1-.Ltmp0, $4  }
0xf: {  	s6 =	sor.u32 s6, s5;
	s5 =	sadd.s32 $0x31E00, s8;
	s12 =	ssub.s32 s12, s13  }
0x10: {  	s18 =	sadd.s32 s31, s2;
	s13 =	simm.s32 $0x80;
	s6 =	sshrl.u32 s6, $0x3  }
0x11: {  	s12 =	smax.u32 s12, $0x1;
	s18 =	sshrl.u32 s18, $0x3;
	s9 =	sadd.s32 s6, s8  }
0x12: {  	s6 =	sadd.s32 $0x8400, s8;
	s8 =	sadd.s32 $0x12B000, s8;
	s9 =	sadd.s32 $0x62400, s9  }
.LBB2_7:
0x13: {  	[tilespmem:s22], [sflag:$0x2] =	stream.indirect.gather [hbm4b:s5+s19], $0x80, s30, s19, $0xb8;
	[tilespmem:$0x1F000] =	vst v63  }
0x14: {  	s28 =	smov.u32 s8  }
.LBB2_8:
0x15: {  	_ =	swait.ge [sflag:s24], $0x2800  }
0x16: {  	[sflag:s24] =	ssyncset.done $0x0  }
0x17: {  	[sflag:s24] =	ssyncadd.s32 $0xFFFFD800  }
0x18: {  	_ =	swait.ge [sflag:s23], $0x2800  }
0x19: {  	s26 =	sadd.s32 $0x1, s26;
	[sflag:s23] =	ssyncset.done $0x0  }
0x1a: {  	p1 =	sne.s32 s26, s12;
	[sflag:s23] =	ssyncadd.s32 $0xFFFFD800  }
.Ltmp1:
0x1b: {  	s28 =	sadd.s32 s28, s11;
	[bflag:$0x0] =	sbarrier.arrive $0xFFFF;
	(pc) =	sbr.rel @!p1 .LBB2_9-.Ltmp1, $4  }
0x1c: {  	[hbm:s28], [sflag:s17] =	dma.local [spmem:s18], $0x2710  }
0x1d: {  	_ =	swait.ge [sflag:s15], $0x2710  }
0x1e: {  	[sflag:s15] =	ssyncset.done $0x0  }
0x1f: {  	[sflag:s15] =	ssyncadd.s32 $0xFFFFD8F0  }
.LBB2_1:
0x20: {  	[tilespmem:s3], [sflag:$0x5] =	stream.strided.gather [hbm4b:s9+s13], $0x2780, s14, s13, $0x38;
	[tilespmem:$0x1F000] =	vst v63  }
0x21: {  	_ =	swait.ge [sflag:s15], $0x2780  }
0x22: {  	[sflag:s15] =	ssyncset.done $0x0  }
0x23: {  	[sflag:s15] =	ssyncadd.s32 $0xFFFFD880  }
0x24: {  	[tilespmem:s16], [sflag:$0x5] =	stream.linear.gather [hbm4b:s10+s3], $0x3E80, $0x38;
	[tilespmem:$0x1F000] =	vst v63  }
0x25: {  	_ =	swait.ge [sflag:s15], $0x3E80  }
0x26: {  	[sflag:s15] =	ssyncset.done $0x0  }
0x27: {  	[sflag:s15] =	ssyncadd.s32 $0xFFFFC180  }
0x28: {  	[spmem:s18], [sflag:s17] =	dma.local [hbm:s6], $0x2710  }
.Ltmp2:
0x29: {  	_ =	swait.ge [sflag:s15], $0x2710;
	(pc) =	sbr.rel @!p0 .LBB2_2-.Ltmp2, $3  }
0x2a: {  	[sflag:s15] =	ssyncset.done $0x0  }
0x2b: {  	[sflag:s15] =	ssyncadd.s32 $0xFFFFD8F0  }
0x2c: {  	[bflag:$0x0] =	sbarrier.arrive $0xFFFF;
	_ =	sdelay $0x1  }
0x2d: {  	[tilespmem:s20], [sflag:$0x1] =	stream.indirect.gather [hbm4b:s5+s19], $0x80, s3, s19, $0xb8;
	[tilespmem:$0x1F000] =	vst v63  }
0x2e: {  	_ =	swait.ge [sflag:s21], $0x2800  }
0x2f: {  	[sflag:s21] =	ssyncset.done $0x0  }
0x30: {  	[sflag:s21] =	ssyncadd.s32 $0xFFFFD800  }
0x31: {  	[tilespmem:s22], [sflag:$0x2] =	stream.indirect.gather [hbm4b:s5+s19], $0x80, s19, s19, $0xb8;
	[tilespmem:$0x1F000] =	vst v63  }
0x32: {  	_ = 	snop  }
0x33: {  	[spmem:s2] =	stream.indirect.scatter.add.f32 [tilespmem:s20], [sflag:$0x3], $0x80, s16, s19, $0xb8;
	[tilespmem:$0x1F000] =	vst v63  }
0x34: {  	_ =	swait.ge [sflag:s23], $0x2800  }
0x35: {  	[sflag:s23] =	ssyncset.done $0x0  }
0x36: {  	s28 =	simm.s32 $0x2800;
	[sflag:s23] =	ssyncadd.s32 $0xFFFFD800  }
0x37: {  	[spmem:s2] =	stream.indirect.scatter.add.f32 [tilespmem:s22], [sflag:$0x4], $0x80, s28, s19, $0xb8;
	[tilespmem:$0x1F000] =	vst v63  }
0x38: {  	_ =	swait.ge [sflag:s24], $0x2800  }
0x39: {  	[sflag:s24] =	ssyncset.done $0x0  }
0x3a: {  	s28 =	simm.s32 $0xA0;
	[sflag:s24] =	ssyncadd.s32 $0xFFFFD800  }
0x3b: {  	[tilespmem:s20], [sflag:$0x1] =	stream.indirect.gather [hbm4b:s5+s19], $0x80, s28, s19, $0xb8;
	[tilespmem:$0x1F000] =	vst v63  }
0x3c: {  	_ =	swait.ge [sflag:s21], $0x2800  }
0x3d: {  	[sflag:s21] =	ssyncset.done $0x0  }
0x3e: {  	s28 =	simm.s32 $0x2880;
	[sflag:s21] =	ssyncadd.s32 $0xFFFFD800  }
0x3f: {  	[spmem:s2] =	stream.indirect.scatter.add.f32 [tilespmem:s20], [sflag:$0x3], $0x80, s28, s19, $0xb8;
	[tilespmem:$0x1F000] =	vst v63  }
0x40: {  	_ =	swait.ge [sflag:s25], $0x2800  }
0x41: {  	s30 =	simm.s32 $0xF0;
	[sflag:s25] =	ssyncset.done $0x0  }
0x42: {  	s29 =	simm.s32 $0x2900;
	s28 =	simm.s32 $0xFFFF6780;
	[sflag:s25] =	ssyncadd.s32 $0xFFFFD800  }
.LBB2_6:
0x43: {  	[tilespmem:s22], [sflag:$0x2] =	stream.indirect.gather [hbm4b:s5+s19], $0x80, s30, s19, $0xb8;
	[tilespmem:$0x1F000] =	vst v63  }
0x44: {  	s30 =	smov.u32 s28  }
0x45: {  	p1 =	sne.s32 s28, $0xFFFFFD80;
	s28 =	sadd.s32 $0x280, s28;
	_ =	swait.ge [sflag:s23], $0x2800  }
0x46: {  	[sflag:s23] =	ssyncset.done $0x0  }
0x47: {  	[sflag:s23] =	ssyncadd.s32 $0xFFFFD800  }
0x48: {  	[spmem:s2] =	stream.indirect.scatter.add.f32 [tilespmem:s22], [sflag:$0x4], $0x80, s29, s19, $0xb8;
	[tilespmem:$0x1F000] =	vst v63  }
0x49: {  	_ =	swait.ge [sflag:s24], $0x2800  }
0x4a: {  	s30 =	sshra.s32 s30, $0x2;
	[sflag:s24] =	ssyncset.done $0x0  }
0x4b: {  	s31 =	sadd.s32 $0x2760, s30;
	[sflag:s24] =	ssyncadd.s32 $0xFFFFD800  }
0x4c: {  	[tilespmem:s20], [sflag:$0x1] =	stream.indirect.gather [hbm4b:s5+s19], $0x80, s31, s19, $0xb8;
	[tilespmem:$0x1F000] =	vst v63  }
0x4d: {  	_ =	swait.ge [sflag:s21], $0x2800  }
0x4e: {  	[sflag:s21] =	ssyncset.done $0x0  }
.Ltmp3:
0x4f: {  	s31 =	sadd.s32 $0x80, s29;
	[sflag:s21] =	ssyncadd.s32 $0xFFFFD800;
	(pc) =	sbr.rel @p1 .LBB2_6-.Ltmp3, $4  }
0x50: {  	[spmem:s2] =	stream.indirect.scatter.add.f32 [tilespmem:s20], [sflag:$0x3], $0x80, s31, s19, $0xb8;
	[tilespmem:$0x1F000] =	vst v63  }
0x51: {  	_ =	swait.ge [sflag:s25], $0x2800  }
0x52: {  	[sflag:s25] =	ssyncset.done $0x0  }
0x53: {  	s30 =	sadd.s32 $0x27B0, s30;
	s29 =	sadd.s32 $0x100, s29;
	[sflag:s25] =	ssyncadd.s32 $0xFFFFD800  }
.Ltmp4:
0x54: {  	_ = 	snop;
	(pc) =	sbr.rel .LBB2_7-.Ltmp4, $1  }
0x55: {  	_ =	sdelay $0x3  }
.LBB2_2:
0x56: {  	[tilespmem:s20], [sflag:$0x1] =	stream.indirect.gather [hbm4b:s4+s19], $0x80, s3, s19, $0xb8;
	[tilespmem:$0x1F000] =	vst v63  }
0x57: {  	_ =	swait.ge [sflag:s21], $0x2800  }
0x58: {  	[sflag:s21] =	ssyncset.done $0x0  }
0x59: {  	[sflag:s21] =	ssyncadd.s32 $0xFFFFD800  }
0x5a: {  	[tilespmem:s22], [sflag:$0x2] =	stream.indirect.gather [hbm4b:s4+s19], $0x80, s19, s19, $0xb8;
	[tilespmem:$0x1F000] =	vst v63  }
0x5b: {  	_ = 	snop  }
0x5c: {  	[spmem:s2] =	stream.indirect.scatter.add.f32 [tilespmem:s20], [sflag:$0x3], $0x80, s16, s19, $0xb8;
	[tilespmem:$0x1F000] =	vst v63  }
0x5d: {  	_ =	swait.ge [sflag:s23], $0x2800  }
0x5e: {  	[sflag:s23] =	ssyncset.done $0x0  }
0x5f: {  	s28 =	simm.s32 $0x2800;
	[sflag:s23] =	ssyncadd.s32 $0xFFFFD800  }
0x60: {  	[spmem:s2] =	stream.indirect.scatter.add.f32 [tilespmem:s22], [sflag:$0x4], $0x80, s28, s19, $0xb8;
	[tilespmem:$0x1F000] =	vst v63  }
0x61: {  	_ =	swait.ge [sflag:s24], $0x2800  }
0x62: {  	[sflag:s24] =	ssyncset.done $0x0  }
0x63: {  	s28 =	simm.s32 $0xA0;
	[sflag:s24] =	ssyncadd.s32 $0xFFFFD800  }
0x64: {  	[tilespmem:s20], [sflag:$0x1] =	stream.indirect.gather [hbm4b:s4+s19], $0x80, s28, s19, $0xb8;
	[tilespmem:$0x1F000] =	vst v63  }
0x65: {  	_ =	swait.ge [sflag:s21], $0x2800  }
0x66: {  	[sflag:s21] =	ssyncset.done $0x0  }
0x67: {  	s28 =	simm.s32 $0x2880;
	[sflag:s21] =	ssyncadd.s32 $0xFFFFD800  }
0x68: {  	[spmem:s2] =	stream.indirect.scatter.add.f32 [tilespmem:s20], [sflag:$0x3], $0x80, s28, s19, $0xb8;
	[tilespmem:$0x1F000] =	vst v63  }
0x69: {  	_ =	swait.ge [sflag:s25], $0x2800  }
0x6a: {  	s30 =	simm.s32 $0xF0;
	[sflag:s25] =	ssyncset.done $0x0  }
0x6b: {  	s29 =	simm.s32 $0x2900;
	s28 =	simm.s32 $0xFFFF6780;
	[sflag:s25] =	ssyncadd.s32 $0xFFFFD800  }
.LBB2_3:
0x6c: {  	[tilespmem:s22], [sflag:$0x2] =	stream.indirect.gather [hbm4b:s4+s19], $0x80, s30, s19, $0xb8;
	[tilespmem:$0x1F000] =	vst v63  }
0x6d: {  	s30 =	smov.u32 s28  }
0x6e: {  	p1 =	seq.s32 s28, $0xFFFFFD80;
	s28 =	sadd.s32 $0x280, s28;
	_ =	swait.ge [sflag:s23], $0x2800  }
0x6f: {  	[sflag:s23] =	ssyncset.done $0x0  }
0x70: {  	[sflag:s23] =	ssyncadd.s32 $0xFFFFD800  }
0x71: {  	[spmem:s2] =	stream.indirect.scatter.add.f32 [tilespmem:s22], [sflag:$0x4], $0x80, s29, s19, $0xb8;
	[tilespmem:$0x1F000] =	vst v63  }
0x72: {  	_ =	swait.ge [sflag:s24], $0x2800  }
0x73: {  	s30 =	sshra.s32 s30, $0x2;
	[sflag:s24] =	ssyncset.done $0x0  }
0x74: {  	s31 =	sadd.s32 $0x2760, s30;
	[sflag:s24] =	ssyncadd.s32 $0xFFFFD800  }
0x75: {  	[tilespmem:s20], [sflag:$0x1] =	stream.indirect.gather [hbm4b:s4+s19], $0x80, s31, s19, $0xb8;
	[tilespmem:$0x1F000] =	vst v63  }
0x76: {  	_ =	swait.ge [sflag:s21], $0x2800  }
0x77: {  	[sflag:s21] =	ssyncset.done $0x0  }
.Ltmp5:
0x78: {  	s31 =	sadd.s32 $0x80, s29;
	[sflag:s21] =	ssyncadd.s32 $0xFFFFD800;
	(pc) =	sbr.rel @!p1 .LBB2_3-.Ltmp5, $4  }
0x79: {  	[spmem:s2] =	stream.indirect.scatter.add.f32 [tilespmem:s20], [sflag:$0x3], $0x80, s31, s19, $0xb8;
	[tilespmem:$0x1F000] =	vst v63  }
0x7a: {  	_ =	swait.ge [sflag:s25], $0x2800  }
0x7b: {  	[sflag:s25] =	ssyncset.done $0x0  }
0x7c: {  	s30 =	sadd.s32 $0x27B0, s30;
	s29 =	sadd.s32 $0x100, s29;
	[sflag:s25] =	ssyncadd.s32 $0xFFFFD800  }
.Ltmp6:
0x7d: {  	(pc) =	sbr.rel .LBB2_8-.Ltmp6, $3  }
0x7e: {  	_ =	sdelay $0x1  }
0x7f: {  	[tilespmem:s22], [sflag:$0x2] =	stream.indirect.gather [hbm4b:s4+s19], $0x80, s30, s19, $0xb8;
	[tilespmem:$0x1F000] =	vst v63  }
0x80: {  	s28 =	smov.u32 s7  }
.LBB2_9:
0x81: {  	_ =	sfence.sel $0x180000  }
0x82: {  	[bflag:$0x0] =	sbarrier.arrive $0xFFFF  }
0x83: {  	p0 =	sne.s32 s1, $0x0;
	_ =	strace $0x9000004A  }
0x84: {  	s0 =	sadd.s32 @!p0 $0x100000, s0;
	[bflag:$0x2] =	sbarrier.arrive $0xFFFF  }
0x85: {  	[sflag:s0] =	ssyncadd.tile.s32 @!p0 $0x1;
	_ =	shalt  }
.Lfunc_end2:
_tile_overlayer_lowered:
.L_overlay_start_2:
0x86: {  	(tag) =	ssettag $0x2  }
0x87: {  	s0 =	rddreg [dreg:$0x0];
	s2 =	stileid.u32  }
0x88: {  	s1 =	rddreg [dreg:$0x1];
	p0 =	sne.s32 s2, $0x0  }
0x89: {  	s3 =	rddreg [dreg:$0x2];
	[bflag:$0x3] =	sbarrier.arrive $0xFFFF;
	s2 =	simm.s32 @!p0 $0x1C05  }
0x8a: {  	[timem:s3], [sflag:s2] =	dma.local @!p0 [hbm:s0], s1  }
0x8b: {  	s0 =	simm.s32 @!p0 $0x5  }
0x8c: {  	_ =	swait.ge @!p0 [sflag:s0], s1  }
0x8d: {  	s1 =	ssub.s32 @!p0 $0x0, s1;
	[sflag:s0] =	ssyncset.done @!p0 $0x0  }
0x8e: {  	[sflag:s0] =	ssyncadd.s32 @!p0 s1  }
0x8f: {  	[bflag:$0x3] =	sbarrier.arrive $0xFFFF  }
0x90: {  	_ =	shalt  }

// kernel: kernel.14.cloned.1.call-start
scs
__scs_entry_jumppad:
0x0: {  	(pc) =	sbr.rel $0x88, $3  }
0x1: {  	(tag) =	ssettag $0x0;
	lr =	simm.s32 $0x1  }
0x2: {  	[smem:$0x3F99] =	sst lr;
	_ =	strace $0xD0000000  }
0x3: {  	_ = 	snop  }
0x4: {  	_ = 	snop  }
0x5: {  	_ = 	snop  }
0x6: {  	_ = 	snop  }
0x7: {  	_ = 	snop  }
__scs_overlays_trampoline_lowered:
0x8: {  	[smem:$0x3FA8] =	sst s0  }
0x9: {  	[smem:$0x3FA9] =	sst s1  }
0xa: {  	[smem:$0x3FAA] =	sst s2  }
0xb: {  	[smem:$0x3FAB] =	sst s3  }
0xc: {  	[smem:$0x3FAC] =	sst s4  }
0xd: {  	[smem:$0x3FAD] =	sst s5  }
0xe: {  	[smem:$0x3FAE] =	sst s6  }
0xf: {  	[smem:$0x3FAF] =	sst s7  }
0x10: {  	[smem:$0x3FB0] =	sst s8  }
0x11: {  	[smem:$0x3FB1] =	sst s9;
	s0 =	simm.s32 @!p0 $0x0  }
0x12: {  	s1 =	sld [smem:$0x3F97];
	s0 =	simm.s32 @p0 $0x1  }
0x13: {  	[smem:$0x3FB2] =	sst s0;
	s0 =	simm.s32 @!p1 $0x0  }
0x14: {  	s2 =	sld [smem:$0x3F96];
	s0 =	simm.s32 @p1 $0x1  }
0x15: {  	[smem:$0x3FB3] =	sst s0;
	s0 =	simm.s32 @!p2 $0x0  }
0x16: {  	s3 =	sld [smem:$0x3FDB];
	s0 =	simm.s32 @p2 $0x1  }
0x17: {  	s4 =	simm.s32 $0x1BF5;
	[smem:$0x3FB5] =	sst s0  }
0x18: {  	s0 =	sld [smem:$0x3F98];
	_ =	swait.ge [sflag:s4], $0x0  }
0x19: {  	s7 =	sld [smem:$0x3F99]  }
0x1a: {  	s8 =	sadd.s32 $0xFFFFE003, lr  }
0x1b: {  	s9 =	sadd.s32 $0xFFFFFEF7, lr;
	s5 =	simm.s32 $0xFFFFFFFF;
	p2 =	slt.u32 s8, $0xFFFFF086  }
0x1c: {  	p1 =	slt.u32 s9, $0xF7A;
	s5 =	simm.s32 @!p2 $0x0  }
0x1d: {  	s5 =	simm.s32 @p1 $0x1;
	p0 =	seq.s32 s7, s2  }
0x1e: {  	s7 =	smul.u32 @!p0 $0xF7A, s2;
	p2 =	seq.s32 @!p0 s5, $0x0  }
0x1f: {  	s9 =	smul.u32 $0xF7A, s1;
	s8 =	simm.s32 @!p0 $0x1BF5;
	p2 =	por !p2, p0  }
0x20: {  	[sflag:s8] =	ssyncset.s32 @!p0 $0xFFFFF086;
	s6 =	sadd.s32 @!p0 s3, s7;
	s7 =	simm.s32 @!p0 $0x108  }
0x21: {  	s3 =	sadd.s32 s3, s9;
	s6 =	sadd.s32 @!p0 $0x88, s6;
	s7 =	simm.s32 @p2 $0x1082  }
0x22: {  	[simem:s7], [sflag:s8] =	dma.local @!p0 [hbm:s6], $0xF7A  }
0x23: {  	s9 =	sor.u32 $0xD0000000, s2;
	s6 =	simm.s32 $0x108;
	_ =	swait.ge @!p0 [sflag:s8], $0x0  }
0x24: {  	s3 =	sadd.s32 $0x88, s3;
	s6 =	simm.s32 @!p1 $0x1082;
	[sflag:s4] =	ssyncset.s32 $0xFFFFF086  }
0x25: {  	[simem:s6], [sflag:s4] =	dma.local [hbm:s3], $0xF7A  }
0x26: {  	[smem:$0x3F99] =	sst s1;
	(tag) =	ssettag s2;
	_ =	strace s9  }
0x27: {  	s1 =	sld [smem:$0x3FA9]  }
0x28: {  	s2 =	sld [smem:$0x3FAA]  }
0x29: {  	s4 =	sld [smem:$0x3FAC]  }
0x2a: {  	p0 =	seq.s32 s5, $0x0;
	s5 =	sld [smem:$0x3FAD]  }
0x2b: {  	s6 =	sld [smem:$0x3FAE]  }
0x2c: {  	s7 =	sld [smem:$0x3FAF]  }
0x2d: {  	s3 =	simm.s32 $0x108;
	s8 =	sld [smem:$0x3FB0]  }
0x2e: {  	s3 =	simm.s32 @!p0 $0x1082;
	s9 =	sld [smem:$0x3FB1]  }
0x2f: {  	lr =	sadd.s32 s0, s3;
	s0 =	sld [smem:$0x3FA8]  }
0x30: {  	s3 =	sld [smem:$0x3FAB]  }
0x31: {  	[smem:$0x3FB4] =	sst s10  }
0x32: {  	s10 =	sld [smem:$0x3FB2];
	_ =	sdelay $0x3  }
0x33: {  	p0 =	seq.s32 s10, $0x1;
	s10 =	sld [smem:$0x3FB4];
	_ =	sdelay $0x3  }
0x34: {  	[smem:$0x3FB4] =	sst s10  }
0x35: {  	s10 =	sld [smem:$0x3FB3];
	_ =	sdelay $0x3  }
0x36: {  	p1 =	seq.s32 s10, $0x1;
	s10 =	sld [smem:$0x3FB4];
	_ =	sdelay $0x3  }
0x37: {  	[smem:$0x3FB4] =	sst s10  }
0x38: {  	s10 =	sld [smem:$0x3FB5]  }
0x39: {  	_ = 	snop;
	(pc) =	sbr.ind lr, $3  }
0x3a: {  	_ = 	snop  }
0x3b: {  	_ = 	snop  }
0x3c: {  	p2 =	seq.s32 s10, $0x1;
	s10 =	sld [smem:$0x3FB4]  }
0x3d: {  	_ =	shalt  }
0x3e: {  	_ =	shalt  }
0x3f: {  	_ =	shalt  }
0x40: {  	_ =	shalt  }
0x41: {  	_ =	shalt  }
0x42: {  	_ =	shalt  }
0x43: {  	_ =	shalt  }
0x44: {  	_ =	shalt  }
0x45: {  	_ =	shalt  }
0x46: {  	_ =	shalt  }
0x47: {  	_ =	shalt  }
0x48: {  	_ =	shalt  }
0x49: {  	_ =	shalt  }
0x4a: {  	_ =	shalt  }
0x4b: {  	_ =	shalt  }
0x4c: {  	_ =	shalt  }
0x4d: {  	_ =	shalt  }
0x4e: {  	_ =	shalt  }
0x4f: {  	_ =	shalt  }
0x50: {  	_ =	shalt  }
0x51: {  	_ =	shalt  }
0x52: {  	_ =	shalt  }
0x53: {  	_ =	shalt  }
0x54: {  	_ =	shalt  }
0x55: {  	_ =	shalt  }
0x56: {  	_ =	shalt  }
0x57: {  	_ =	shalt  }
0x58: {  	_ =	shalt  }
0x59: {  	_ =	shalt  }
0x5a: {  	_ =	shalt  }
0x5b: {  	_ =	shalt  }
0x5c: {  	_ =	shalt  }
0x5d: {  	_ =	shalt  }
0x5e: {  	_ =	shalt  }
0x5f: {  	_ =	shalt  }
0x60: {  	_ =	shalt  }
0x61: {  	_ =	shalt  }
0x62: {  	_ =	shalt  }
0x63: {  	_ =	shalt  }
0x64: {  	_ =	shalt  }
0x65: {  	_ =	shalt  }
0x66: {  	_ =	shalt  }
0x67: {  	_ =	shalt  }
0x68: {  	_ =	shalt  }
0x69: {  	_ =	shalt  }
0x6a: {  	_ =	shalt  }
0x6b: {  	_ =	shalt  }
0x6c: {  	_ =	shalt  }
0x6d: {  	_ =	shalt  }
0x6e: {  	_ =	shalt  }
0x6f: {  	_ =	shalt  }
0x70: {  	_ =	shalt  }
0x71: {  	_ =	shalt  }
0x72: {  	_ =	shalt  }
0x73: {  	_ =	shalt  }
0x74: {  	_ =	shalt  }
0x75: {  	_ =	shalt  }
0x76: {  	_ =	shalt  }
0x77: {  	_ =	shalt  }
0x78: {  	_ =	shalt  }
0x79: {  	_ =	shalt  }
0x7a: {  	_ =	shalt  }
0x7b: {  	_ =	shalt  }
0x7c: {  	_ =	shalt  }
0x7d: {  	_ =	shalt  }
0x7e: {  	_ =	shalt  }
0x7f: {  	_ =	shalt  }
0x80: {  	_ =	shalt  }
0x81: {  	_ =	shalt  }
0x82: {  	_ =	shalt  }
0x83: {  	_ =	shalt  }
0x84: {  	_ =	shalt  }
0x85: {  	_ =	shalt  }
0x86: {  	_ =	shalt  }
0x87: {  	_ =	shalt  }
.Lfunc_end0:
.L_simem_size_0:
called_computation.2_lowered:
.L_overlay_start_0:
0x88: {  	s2 =	sld [smem:$0x3FD9]  }
0x89: {  	s3 =	sld [smem:$0x3FFE];
	_ =	sdelay $0x1  }
0x8a: {  	s1 =	srdreg.scid  }
0x8b: {  	s0 =	sand.u32 $0x1, s1  }
0x8c: {  	s16 =	sshll.u32 s0, $0xA;
	s2 =	sadd.s32 s3, s2  }
0x8d: {  	s2 =	sadd.s32 s2, s16  }
0x8e: {  	[smem:$0x3FC0] =	sst s2  }
0x8f: {  	_ = 	snop  }
0x90: {  	(tm) =	ssettm $0x1  }
0x91: {  	s17 =	sld [smem:$0x3FFB];
	_ =	sdelay $0x3  }
0x92: {  	_ =	strace s17  }
0x93: {  	s2 =	sld [smem:$0x3FFC];
	_ =	sdelay $0x3  }
0x94: {  	_ =	strace s2  }
0x95: {  	s2 =	sld [smem:$0x3FFD];
	_ =	sdelay $0x3  }
0x96: {  	_ =	strace s2  }
0x97: {  	_ =	strace $0x8FFFFFFF  }
0x98: {  	s18 =	sld [smem:$0x3FDB];
	_ =	sdelay $0x1  }
0x99: {  	s19 =	simm.s32 $_scs_section_size  }
0x9a: {  	s4 =	simm.s32 $_size__tile_overlayer_lowered;
	s5 =	simm.s32 $_tile_overlayer_lowered  }
0x9b: {  	s22 =	simm.s32 $0x1BFF;
	s21 =	sshll.u32 s5, $0x1;
	s2 =	sadd.s32 s19, s18  }
0x9c: {  	s6 =	simm.s32 $0x0;
	s20 =	sshll.u32 s4, $0x1;
	s4 =	sadd.s32 s21, s2  }
0x9d: {  	[timem:s6], [sflag:s22] =	dma.local [hbm:s4], s20  }
0x9e: {  	_ =	swait.ge [sflag:s22], s20  }
0x9f: {  	s3 =	ssub.s32 $0x0, s20;
	[sflag:s22] =	ssyncset.done $0x0  }
0xa0: {  	[sflag:s22] =	ssyncadd.s32 s3;
	_ =	sdelay $0x1  }
0xa1: {  	s23 =	simm.s32 $0x1B8B  }
0xa2: {  	_ =	swait.ge [sflag:s23], $0x1  }
0xa3: {  	[sflag:s23] =	ssyncset.done $0x0  }
0xa4: {  	s25 =	simm.s32 $0x1B8E;
	s24 =	sld [smem:$0x3FFE];
	[sflag:s23] =	ssyncadd.s32 $0xFFFFFFFF  }
0xa5: {  	s26 =	simm.s32 $execute0_lowered;
	[smem:$0x3FD2] =	sst s25  }
0xa6: {  	s4 =	sshll.u32 s26, $0x1;
	_ =	strace $0x8000004C;
	[dreg:$0x1] =	wrdreg $0xFFFFFFFF  }
0xa7: {  	s28 =	simm.s32 $_size_execute0_lowered;
	s2 =	sadd.s32 s2, s4;
	[dreg:$0x0] =	wrdreg $0x0  }
0xa8: {  	s4 =	sshll.u32 s28, $0x1;
	[dreg:$0x2] =	wrdreg s2  }
0xa9: {  	[dreg:$0x3] =	wrdreg s4  }
0xaa: {  	[dreg:$0x4] =	wrdreg $0xC0  }
0xab: {  	_ =	task [dreg:s6], $0x5FFFF  }
0xac: {  	[dreg:$0x1] =	wrdreg $0xFFFFFFFF  }
0xad: {  	[dreg:$0x0] =	wrdreg $0x60  }
0xae: {  	[dreg:$0x2] =	wrdreg s24  }
0xaf: {  	[dreg:$0x3] =	wrdreg $0xB7800  }
0xb0: {  	[dreg:$0x4] =	wrdreg $0x9  }
0xb1: {  	_ =	task.clear_ibuf [dreg:s6], $0x5FFFF;
	_ =	strace $0x9000004C  }
0xb2: {  	s29 =	simm.s32 $0x9;
	_ =	strace $0x8000004E  }
0xb3: {  	_ =	swait.ge [sflag:s29], $0x1  }
0xb4: {  	[sflag:s29] =	ssyncadd.s32 $0xFFFFFFFF  }
0xb5: {  	_ =	strace $0x9000004E  }
0xb6: {  	_ =	sfence  }
0xb7: {  	s30 =	sld [smem:$0x0];
	_ =	sdelay $0x2  }
0xb8: {  	s31 =	sshll.u32 s1, $0xD;
	s1 =	sshrl.u32 s1, $0x2  }
0xb9: {  	s3 =	sand.u32 $0x4000, s31;
	s1 =	sadd.s32 s1, s30  }
0xba: {  	s0 =	sor.u32 s3, s0;
	s1 =	sshll.u32 s1, $0x11  }
0xbb: {  	s0 =	sor.u32 s1, s0  }
0xbc: {  	s0 =	sadd.s32 $0x8F2B, s0  }
0xbd: {  	[sflag:s0] =	ssyncadd.remote.s32 $0x1  }
0xbe: {  	_ =	sfence.sel $0xFFFF  }
0xbf: {  	[dreg:$0x0] =	wrdreg $0xFFFFFFFF;
	(pc) =	sbr.abs _section_cstart, $3  }
0xc0: {  	[dreg:$0x1] =	wrdreg $0xFFFFFFFF  }
0xc1: {  	_ =	task.clear_ibuf [dreg:s6], $0x2FFFF;
	_ =	strace $0x9FFFFFFF  }
0xc2: {  	(tm) =	ssettm $0x7FFFFFFF  }
0xc3: {  	_ =	shalt  }
tec
execute0_lowered:
.L_overlay_start_1:
0x0: {  	(tag) =	ssettag $0x1  }
0x1: {  	s8 =	rddreg [dreg:$0x0]  }
0x2: {  	s2 =	rddreg [dreg:$0x1]  }
0x3: {  	s1 =	stileid.u32;
	s0 =	rddreg [dreg:$0x2];
	s3 =	simm.s32 $0x0  }
0x4: {  	s7 =	srdreg.scid;
	s15 =	simm.s32 $0x5;
	s16 =	simm.s32 $0x2780  }
0x5: {  	s19 =	simm.s32 $0x50;
	s20 =	simm.s32 $0x6780;
	s21 =	simm.s32 $0x1  }
0x6: {  	s22 =	simm.s32 $0x8F80;
	s23 =	simm.s32 $0x2;
	s24 =	simm.s32 $0x3  }
0x7: {  	s25 =	simm.s32 $0x4;
	s26 =	simm.s32 $0x0;
	s4 =	sshrl.u32 s1, $0x3  }
0x8: {  	s29 =	sshll.u32 s1, $0x7;
	[smem:$0x7FF] =	sst s3;
	s30 =	sshll.u32 s1, $0xB  }
0x9: {  	s11 =	sand.u32 $0x1, s7;
	s7 =	sadd.s32 $0x103A00, s8;
	s14 =	smul.u32 $0x4E200, s1  }
0xa: {  	s17 =	sshll.u32 s1, $0x6;
	s5 =	smul.u32 $0x13C00, s4;
	s6 =	sand.u32 $0x380, s29  }
0xb: {  	_ =	strace $0x8000004D;
	s4 =	sadd.s32 $0xB5600, s8;
	s10 =	sadd.s32 s30, s8  }
0xc: {  	s12 =	ssub.s32 $0x2, s11;
	p0 =	seq.s32 s11, $0x1;
	s11 =	smul.u32 $0x2780, s1  }
0xd: {  	s17 =	sor.u32 $0x1C05, s17;
	s13 =	sshrl.u32 s12, $0x1;
	s10 =	sadd.s32 $0x5A400, s10  }
.Ltmp0:
0xe: {  	s31 =	sshrl.u32 s14, $0x2;
	s14 =	simm.s32 $0x400;
	(pc) =	sbr.rel .LBB2_1-.Ltmp0, $4  }
0xf: {  	s6 =	sor.u32 s6, s5;
	s5 =	sadd.s32 $0xDC800, s8;
	s12 =	ssub.s32 s12, s13  }
0x10: {  	s18 =	sadd.s32 s31, s2;
	s13 =	simm.s32 $0x80;
	s6 =	sshrl.u32 s6, $0x3  }
0x11: {  	s12 =	smax.u32 s12, $0x1;
	s18 =	sshrl.u32 s18, $0x3;
	s9 =	sadd.s32 s6, s8  }
0x12: {  	s6 =	sadd.s32 $0x8400, s8;
	s8 =	sadd.s32 $0x12B200, s8;
	s9 =	sadd.s32 $0x62400, s9  }
.LBB2_7:
0x13: {  	[tilespmem:s22], [sflag:$0x2] =	stream.indirect.gather [hbm4b:s5+s19], $0x80, s30, s19, $0xb8;
	[tilespmem:$0x1F000] =	vst v63  }
0x14: {  	s28 =	smov.u32 s8  }
.LBB2_8:
0x15: {  	_ =	swait.ge [sflag:s24], $0x2800  }
0x16: {  	[sflag:s24] =	ssyncset.done $0x0  }
0x17: {  	[sflag:s24] =	ssyncadd.s32 $0xFFFFD800  }
0x18: {  	_ =	swait.ge [sflag:s23], $0x2800  }
0x19: {  	s26 =	sadd.s32 $0x1, s26;
	[sflag:s23] =	ssyncset.done $0x0  }
0x1a: {  	p1 =	sne.s32 s26, s12;
	[sflag:s23] =	ssyncadd.s32 $0xFFFFD800  }
.Ltmp1:
0x1b: {  	s28 =	sadd.s32 s28, s11;
	[bflag:$0x0] =	sbarrier.arrive $0xFFFF;
	(pc) =	sbr.rel @!p1 .LBB2_9-.Ltmp1, $4  }
0x1c: {  	[hbm:s28], [sflag:s17] =	dma.local [spmem:s18], $0x2710  }
0x1d: {  	_ =	swait.ge [sflag:s15], $0x2710  }
0x1e: {  	[sflag:s15] =	ssyncset.done $0x0  }
0x1f: {  	[sflag:s15] =	ssyncadd.s32 $0xFFFFD8F0  }
.LBB2_1:
0x20: {  	[tilespmem:s3], [sflag:$0x5] =	stream.strided.gather [hbm4b:s9+s13], $0x2780, s14, s13, $0x38;
	[tilespmem:$0x1F000] =	vst v63  }
0x21: {  	_ =	swait.ge [sflag:s15], $0x2780  }
0x22: {  	[sflag:s15] =	ssyncset.done $0x0  }
0x23: {  	[sflag:s15] =	ssyncadd.s32 $0xFFFFD880  }
0x24: {  	[tilespmem:s16], [sflag:$0x5] =	stream.linear.gather [hbm4b:s10+s3], $0x3E80, $0x38;
	[tilespmem:$0x1F000] =	vst v63  }
0x25: {  	_ =	swait.ge [sflag:s15], $0x3E80  }
0x26: {  	[sflag:s15] =	ssyncset.done $0x0  }
0x27: {  	[sflag:s15] =	ssyncadd.s32 $0xFFFFC180  }
0x28: {  	[spmem:s18], [sflag:s17] =	dma.local [hbm:s6], $0x2710  }
.Ltmp2:
0x29: {  	_ =	swait.ge [sflag:s15], $0x2710;
	(pc) =	sbr.rel @!p0 .LBB2_2-.Ltmp2, $3  }
0x2a: {  	[sflag:s15] =	ssyncset.done $0x0  }
0x2b: {  	[sflag:s15] =	ssyncadd.s32 $0xFFFFD8F0  }
0x2c: {  	[bflag:$0x0] =	sbarrier.arrive $0xFFFF;
	_ =	sdelay $0x1  }
0x2d: {  	[tilespmem:s20], [sflag:$0x1] =	stream.indirect.gather [hbm4b:s5+s19], $0x80, s3, s19, $0xb8;
	[tilespmem:$0x1F000] =	vst v63  }
0x2e: {  	_ =	swait.ge [sflag:s21], $0x2800  }
0x2f: {  	[sflag:s21] =	ssyncset.done $0x0  }
0x30: {  	[sflag:s21] =	ssyncadd.s32 $0xFFFFD800  }
0x31: {  	[tilespmem:s22], [sflag:$0x2] =	stream.indirect.gather [hbm4b:s5+s19], $0x80, s19, s19, $0xb8;
	[tilespmem:$0x1F000] =	vst v63  }
0x32: {  	_ = 	snop  }
0x33: {  	[spmem:s2] =	stream.indirect.scatter.add.f32 [tilespmem:s20], [sflag:$0x3], $0x80, s16, s19, $0xb8;
	[tilespmem:$0x1F000] =	vst v63  }
0x34: {  	_ =	swait.ge [sflag:s23], $0x2800  }
0x35: {  	[sflag:s23] =	ssyncset.done $0x0  }
0x36: {  	s28 =	simm.s32 $0x2800;
	[sflag:s23] =	ssyncadd.s32 $0xFFFFD800  }
0x37: {  	[spmem:s2] =	stream.indirect.scatter.add.f32 [tilespmem:s22], [sflag:$0x4], $0x80, s28, s19, $0xb8;
	[tilespmem:$0x1F000] =	vst v63  }
0x38: {  	_ =	swait.ge [sflag:s24], $0x2800  }
0x39: {  	[sflag:s24] =	ssyncset.done $0x0  }
0x3a: {  	s28 =	simm.s32 $0xA0;
	[sflag:s24] =	ssyncadd.s32 $0xFFFFD800  }
0x3b: {  	[tilespmem:s20], [sflag:$0x1] =	stream.indirect.gather [hbm4b:s5+s19], $0x80, s28, s19, $0xb8;
	[tilespmem:$0x1F000] =	vst v63  }
0x3c: {  	_ =	swait.ge [sflag:s21], $0x2800  }
0x3d: {  	[sflag:s21] =	ssyncset.done $0x0  }
0x3e: {  	s28 =	simm.s32 $0x2880;
	[sflag:s21] =	ssyncadd.s32 $0xFFFFD800  }
0x3f: {  	[spmem:s2] =	stream.indirect.scatter.add.f32 [tilespmem:s20], [sflag:$0x3], $0x80, s28, s19, $0xb8;
	[tilespmem:$0x1F000] =	vst v63  }
0x40: {  	_ =	swait.ge [sflag:s25], $0x2800  }
0x41: {  	s30 =	simm.s32 $0xF0;
	[sflag:s25] =	ssyncset.done $0x0  }
0x42: {  	s29 =	simm.s32 $0x2900;
	s28 =	simm.s32 $0xFFFF6780;
	[sflag:s25] =	ssyncadd.s32 $0xFFFFD800  }
.LBB2_6:
0x43: {  	[tilespmem:s22], [sflag:$0x2] =	stream.indirect.gather [hbm4b:s5+s19], $0x80, s30, s19, $0xb8;
	[tilespmem:$0x1F000] =	vst v63  }
0x44: {  	s30 =	smov.u32 s28  }
0x45: {  	p1 =	sne.s32 s28, $0xFFFFFD80;
	s28 =	sadd.s32 $0x280, s28;
	_ =	swait.ge [sflag:s23], $0x2800  }
0x46: {  	[sflag:s23] =	ssyncset.done $0x0  }
0x47: {  	[sflag:s23] =	ssyncadd.s32 $0xFFFFD800  }
0x48: {  	[spmem:s2] =	stream.indirect.scatter.add.f32 [tilespmem:s22], [sflag:$0x4], $0x80, s29, s19, $0xb8;
	[tilespmem:$0x1F000] =	vst v63  }
0x49: {  	_ =	swait.ge [sflag:s24], $0x2800  }
0x4a: {  	s30 =	sshra.s32 s30, $0x2;
	[sflag:s24] =	ssyncset.done $0x0  }
0x4b: {  	s31 =	sadd.s32 $0x2760, s30;
	[sflag:s24] =	ssyncadd.s32 $0xFFFFD800  }
0x4c: {  	[tilespmem:s20], [sflag:$0x1] =	stream.indirect.gather [hbm4b:s5+s19], $0x80, s31, s19, $0xb8;
	[tilespmem:$0x1F000] =	vst v63  }
0x4d: {  	_ =	swait.ge [sflag:s21], $0x2800  }
0x4e: {  	[sflag:s21] =	ssyncset.done $0x0  }
.Ltmp3:
0x4f: {  	s31 =	sadd.s32 $0x80, s29;
	[sflag:s21] =	ssyncadd.s32 $0xFFFFD800;
	(pc) =	sbr.rel @p1 .LBB2_6-.Ltmp3, $4  }
0x50: {  	[spmem:s2] =	stream.indirect.scatter.add.f32 [tilespmem:s20], [sflag:$0x3], $0x80, s31, s19, $0xb8;
	[tilespmem:$0x1F000] =	vst v63  }
0x51: {  	_ =	swait.ge [sflag:s25], $0x2800  }
0x52: {  	[sflag:s25] =	ssyncset.done $0x0  }
0x53: {  	s30 =	sadd.s32 $0x27B0, s30;
	s29 =	sadd.s32 $0x100, s29;
	[sflag:s25] =	ssyncadd.s32 $0xFFFFD800  }
.Ltmp4:
0x54: {  	_ = 	snop;
	(pc) =	sbr.rel .LBB2_7-.Ltmp4, $1  }
0x55: {  	_ =	sdelay $0x3  }
.LBB2_2:
0x56: {  	[tilespmem:s20], [sflag:$0x1] =	stream.indirect.gather [hbm4b:s4+s19], $0x80, s3, s19, $0xb8;
	[tilespmem:$0x1F000] =	vst v63  }
0x57: {  	_ =	swait.ge [sflag:s21], $0x2800  }
0x58: {  	[sflag:s21] =	ssyncset.done $0x0  }
0x59: {  	[sflag:s21] =	ssyncadd.s32 $0xFFFFD800  }
0x5a: {  	[tilespmem:s22], [sflag:$0x2] =	stream.indirect.gather [hbm4b:s4+s19], $0x80, s19, s19, $0xb8;
	[tilespmem:$0x1F000] =	vst v63  }
0x5b: {  	_ = 	snop  }
0x5c: {  	[spmem:s2] =	stream.indirect.scatter.add.f32 [tilespmem:s20], [sflag:$0x3], $0x80, s16, s19, $0xb8;
	[tilespmem:$0x1F000] =	vst v63  }
0x5d: {  	_ =	swait.ge [sflag:s23], $0x2800  }
0x5e: {  	[sflag:s23] =	ssyncset.done $0x0  }
0x5f: {  	s28 =	simm.s32 $0x2800;
	[sflag:s23] =	ssyncadd.s32 $0xFFFFD800  }
0x60: {  	[spmem:s2] =	stream.indirect.scatter.add.f32 [tilespmem:s22], [sflag:$0x4], $0x80, s28, s19, $0xb8;
	[tilespmem:$0x1F000] =	vst v63  }
0x61: {  	_ =	swait.ge [sflag:s24], $0x2800  }
0x62: {  	[sflag:s24] =	ssyncset.done $0x0  }
0x63: {  	s28 =	simm.s32 $0xA0;
	[sflag:s24] =	ssyncadd.s32 $0xFFFFD800  }
0x64: {  	[tilespmem:s20], [sflag:$0x1] =	stream.indirect.gather [hbm4b:s4+s19], $0x80, s28, s19, $0xb8;
	[tilespmem:$0x1F000] =	vst v63  }
0x65: {  	_ =	swait.ge [sflag:s21], $0x2800  }
0x66: {  	[sflag:s21] =	ssyncset.done $0x0  }
0x67: {  	s28 =	simm.s32 $0x2880;
	[sflag:s21] =	ssyncadd.s32 $0xFFFFD800  }
0x68: {  	[spmem:s2] =	stream.indirect.scatter.add.f32 [tilespmem:s20], [sflag:$0x3], $0x80, s28, s19, $0xb8;
	[tilespmem:$0x1F000] =	vst v63  }
0x69: {  	_ =	swait.ge [sflag:s25], $0x2800  }
0x6a: {  	s30 =	simm.s32 $0xF0;
	[sflag:s25] =	ssyncset.done $0x0  }
0x6b: {  	s29 =	simm.s32 $0x2900;
	s28 =	simm.s32 $0xFFFF6780;
	[sflag:s25] =	ssyncadd.s32 $0xFFFFD800  }
.LBB2_3:
0x6c: {  	[tilespmem:s22], [sflag:$0x2] =	stream.indirect.gather [hbm4b:s4+s19], $0x80, s30, s19, $0xb8;
	[tilespmem:$0x1F000] =	vst v63  }
0x6d: {  	s30 =	smov.u32 s28  }
0x6e: {  	p1 =	seq.s32 s28, $0xFFFFFD80;
	s28 =	sadd.s32 $0x280, s28;
	_ =	swait.ge [sflag:s23], $0x2800  }
0x6f: {  	[sflag:s23] =	ssyncset.done $0x0  }
0x70: {  	[sflag:s23] =	ssyncadd.s32 $0xFFFFD800  }
0x71: {  	[spmem:s2] =	stream.indirect.scatter.add.f32 [tilespmem:s22], [sflag:$0x4], $0x80, s29, s19, $0xb8;
	[tilespmem:$0x1F000] =	vst v63  }
0x72: {  	_ =	swait.ge [sflag:s24], $0x2800  }
0x73: {  	s30 =	sshra.s32 s30, $0x2;
	[sflag:s24] =	ssyncset.done $0x0  }
0x74: {  	s31 =	sadd.s32 $0x2760, s30;
	[sflag:s24] =	ssyncadd.s32 $0xFFFFD800  }
0x75: {  	[tilespmem:s20], [sflag:$0x1] =	stream.indirect.gather [hbm4b:s4+s19], $0x80, s31, s19, $0xb8;
	[tilespmem:$0x1F000] =	vst v63  }
0x76: {  	_ =	swait.ge [sflag:s21], $0x2800  }
0x77: {  	[sflag:s21] =	ssyncset.done $0x0  }
.Ltmp5:
0x78: {  	s31 =	sadd.s32 $0x80, s29;
	[sflag:s21] =	ssyncadd.s32 $0xFFFFD800;
	(pc) =	sbr.rel @!p1 .LBB2_3-.Ltmp5, $4  }
0x79: {  	[spmem:s2] =	stream.indirect.scatter.add.f32 [tilespmem:s20], [sflag:$0x3], $0x80, s31, s19, $0xb8;
	[tilespmem:$0x1F000] =	vst v63  }
0x7a: {  	_ =	swait.ge [sflag:s25], $0x2800  }
0x7b: {  	[sflag:s25] =	ssyncset.done $0x0  }
0x7c: {  	s30 =	sadd.s32 $0x27B0, s30;
	s29 =	sadd.s32 $0x100, s29;
	[sflag:s25] =	ssyncadd.s32 $0xFFFFD800  }
.Ltmp6:
0x7d: {  	(pc) =	sbr.rel .LBB2_8-.Ltmp6, $3  }
0x7e: {  	_ =	sdelay $0x1  }
0x7f: {  	[tilespmem:s22], [sflag:$0x2] =	stream.indirect.gather [hbm4b:s4+s19], $0x80, s30, s19, $0xb8;
	[tilespmem:$0x1F000] =	vst v63  }
0x80: {  	s28 =	smov.u32 s7  }
.LBB2_9:
0x81: {  	_ =	sfence.sel $0x180000  }
0x82: {  	[bflag:$0x0] =	sbarrier.arrive $0xFFFF  }
0x83: {  	p0 =	sne.s32 s1, $0x0;
	_ =	strace $0x9000004D  }
0x84: {  	s0 =	sadd.s32 @!p0 $0x100000, s0;
	[bflag:$0x2] =	sbarrier.arrive $0xFFFF  }
0x85: {  	[sflag:s0] =	ssyncadd.tile.s32 @!p0 $0x1;
	_ =	shalt  }
.Lfunc_end2:
_tile_overlayer_lowered:
.L_overlay_start_2:
0x86: {  	(tag) =	ssettag $0x2  }
0x87: {  	s0 =	rddreg [dreg:$0x0];
	s2 =	stileid.u32  }
0x88: {  	s1 =	rddreg [dreg:$0x1];
	p0 =	sne.s32 s2, $0x0  }
0x89: {  	s3 =	rddreg [dreg:$0x2];
	[bflag:$0x3] =	sbarrier.arrive $0xFFFF;
	s2 =	simm.s32 @!p0 $0x1C05  }
0x8a: {  	[timem:s3], [sflag:s2] =	dma.local @!p0 [hbm:s0], s1  }
0x8b: {  	s0 =	simm.s32 @!p0 $0x5  }
0x8c: {  	_ =	swait.ge @!p0 [sflag:s0], s1  }
0x8d: {  	s1 =	ssub.s32 @!p0 $0x0, s1;
	[sflag:s0] =	ssyncset.done @!p0 $0x0  }
0x8e: {  	[sflag:s0] =	ssyncadd.s32 @!p0 s1  }
0x8f: {  	[bflag:$0x3] =	sbarrier.arrive $0xFFFF  }
0x90: {  	_ =	shalt  }

// kernel: kernel.8.cloned.1.call-start
scs
__scs_entry_jumppad:
0x0: {  	(pc) =	sbr.rel $0x88, $3  }
0x1: {  	(tag) =	ssettag $0x0;
	lr =	simm.s32 $0x1  }
0x2: {  	[smem:$0x3F99] =	sst lr;
	_ =	strace $0xD0000000  }
0x3: {  	_ = 	snop  }
0x4: {  	_ = 	snop  }
0x5: {  	_ = 	snop  }
0x6: {  	_ = 	snop  }
0x7: {  	_ = 	snop  }
__scs_overlays_trampoline_lowered:
0x8: {  	[smem:$0x3FA8] =	sst s0  }
0x9: {  	[smem:$0x3FA9] =	sst s1  }
0xa: {  	[smem:$0x3FAA] =	sst s2  }
0xb: {  	[smem:$0x3FAB] =	sst s3  }
0xc: {  	[smem:$0x3FAC] =	sst s4  }
0xd: {  	[smem:$0x3FAD] =	sst s5  }
0xe: {  	[smem:$0x3FAE] =	sst s6  }
0xf: {  	[smem:$0x3FAF] =	sst s7  }
0x10: {  	[smem:$0x3FB0] =	sst s8  }
0x11: {  	[smem:$0x3FB1] =	sst s9;
	s0 =	simm.s32 @!p0 $0x0  }
0x12: {  	s1 =	sld [smem:$0x3F97];
	s0 =	simm.s32 @p0 $0x1  }
0x13: {  	[smem:$0x3FB2] =	sst s0;
	s0 =	simm.s32 @!p1 $0x0  }
0x14: {  	s2 =	sld [smem:$0x3F96];
	s0 =	simm.s32 @p1 $0x1  }
0x15: {  	[smem:$0x3FB3] =	sst s0;
	s0 =	simm.s32 @!p2 $0x0  }
0x16: {  	s3 =	sld [smem:$0x3FDB];
	s0 =	simm.s32 @p2 $0x1  }
0x17: {  	s4 =	simm.s32 $0x1BF5;
	[smem:$0x3FB5] =	sst s0  }
0x18: {  	s0 =	sld [smem:$0x3F98];
	_ =	swait.ge [sflag:s4], $0x0  }
0x19: {  	s7 =	sld [smem:$0x3F99]  }
0x1a: {  	s8 =	sadd.s32 $0xFFFFE003, lr  }
0x1b: {  	s9 =	sadd.s32 $0xFFFFFEF7, lr;
	s5 =	simm.s32 $0xFFFFFFFF;
	p2 =	slt.u32 s8, $0xFFFFF086  }
0x1c: {  	p1 =	slt.u32 s9, $0xF7A;
	s5 =	simm.s32 @!p2 $0x0  }
0x1d: {  	s5 =	simm.s32 @p1 $0x1;
	p0 =	seq.s32 s7, s2  }
0x1e: {  	s7 =	smul.u32 @!p0 $0xF7A, s2;
	p2 =	seq.s32 @!p0 s5, $0x0  }
0x1f: {  	s9 =	smul.u32 $0xF7A, s1;
	s8 =	simm.s32 @!p0 $0x1BF5;
	p2 =	por !p2, p0  }
0x20: {  	[sflag:s8] =	ssyncset.s32 @!p0 $0xFFFFF086;
	s6 =	sadd.s32 @!p0 s3, s7;
	s7 =	simm.s32 @!p0 $0x108  }
0x21: {  	s3 =	sadd.s32 s3, s9;
	s6 =	sadd.s32 @!p0 $0x88, s6;
	s7 =	simm.s32 @p2 $0x1082  }
0x22: {  	[simem:s7], [sflag:s8] =	dma.local @!p0 [hbm:s6], $0xF7A  }
0x23: {  	s9 =	sor.u32 $0xD0000000, s2;
	s6 =	simm.s32 $0x108;
	_ =	swait.ge @!p0 [sflag:s8], $0x0  }
0x24: {  	s3 =	sadd.s32 $0x88, s3;
	s6 =	simm.s32 @!p1 $0x1082;
	[sflag:s4] =	ssyncset.s32 $0xFFFFF086  }
0x25: {  	[simem:s6], [sflag:s4] =	dma.local [hbm:s3], $0xF7A  }
0x26: {  	[smem:$0x3F99] =	sst s1;
	(tag) =	ssettag s2;
	_ =	strace s9  }
0x27: {  	s1 =	sld [smem:$0x3FA9]  }
0x28: {  	s2 =	sld [smem:$0x3FAA]  }
0x29: {  	s4 =	sld [smem:$0x3FAC]  }
0x2a: {  	p0 =	seq.s32 s5, $0x0;
	s5 =	sld [smem:$0x3FAD]  }
0x2b: {  	s6 =	sld [smem:$0x3FAE]  }
0x2c: {  	s7 =	sld [smem:$0x3FAF]  }
0x2d: {  	s3 =	simm.s32 $0x108;
	s8 =	sld [smem:$0x3FB0]  }
0x2e: {  	s3 =	simm.s32 @!p0 $0x1082;
	s9 =	sld [smem:$0x3FB1]  }
0x2f: {  	lr =	sadd.s32 s0, s3;
	s0 =	sld [smem:$0x3FA8]  }
0x30: {  	s3 =	sld [smem:$0x3FAB]  }
0x31: {  	[smem:$0x3FB4] =	sst s10  }
0x32: {  	s10 =	sld [smem:$0x3FB2];
	_ =	sdelay $0x3  }
0x33: {  	p0 =	seq.s32 s10, $0x1;
	s10 =	sld [smem:$0x3FB4];
	_ =	sdelay $0x3  }
0x34: {  	[smem:$0x3FB4] =	sst s10  }
0x35: {  	s10 =	sld [smem:$0x3FB3];
	_ =	sdelay $0x3  }
0x36: {  	p1 =	seq.s32 s10, $0x1;
	s10 =	sld [smem:$0x3FB4];
	_ =	sdelay $0x3  }
0x37: {  	[smem:$0x3FB4] =	sst s10  }
0x38: {  	s10 =	sld [smem:$0x3FB5]  }
0x39: {  	_ = 	snop;
	(pc) =	sbr.ind lr, $3  }
0x3a: {  	_ = 	snop  }
0x3b: {  	_ = 	snop  }
0x3c: {  	p2 =	seq.s32 s10, $0x1;
	s10 =	sld [smem:$0x3FB4]  }
0x3d: {  	_ =	shalt  }
0x3e: {  	_ =	shalt  }
0x3f: {  	_ =	shalt  }
0x40: {  	_ =	shalt  }
0x41: {  	_ =	shalt  }
0x42: {  	_ =	shalt  }
0x43: {  	_ =	shalt  }
0x44: {  	_ =	shalt  }
0x45: {  	_ =	shalt  }
0x46: {  	_ =	shalt  }
0x47: {  	_ =	shalt  }
0x48: {  	_ =	shalt  }
0x49: {  	_ =	shalt  }
0x4a: {  	_ =	shalt  }
0x4b: {  	_ =	shalt  }
0x4c: {  	_ =	shalt  }
0x4d: {  	_ =	shalt  }
0x4e: {  	_ =	shalt  }
0x4f: {  	_ =	shalt  }
0x50: {  	_ =	shalt  }
0x51: {  	_ =	shalt  }
0x52: {  	_ =	shalt  }
0x53: {  	_ =	shalt  }
0x54: {  	_ =	shalt  }
0x55: {  	_ =	shalt  }
0x56: {  	_ =	shalt  }
0x57: {  	_ =	shalt  }
0x58: {  	_ =	shalt  }
0x59: {  	_ =	shalt  }
0x5a: {  	_ =	shalt  }
0x5b: {  	_ =	shalt  }
0x5c: {  	_ =	shalt  }
0x5d: {  	_ =	shalt  }
0x5e: {  	_ =	shalt  }
0x5f: {  	_ =	shalt  }
0x60: {  	_ =	shalt  }
0x61: {  	_ =	shalt  }
0x62: {  	_ =	shalt  }
0x63: {  	_ =	shalt  }
0x64: {  	_ =	shalt  }
0x65: {  	_ =	shalt  }
0x66: {  	_ =	shalt  }
0x67: {  	_ =	shalt  }
0x68: {  	_ =	shalt  }
0x69: {  	_ =	shalt  }
0x6a: {  	_ =	shalt  }
0x6b: {  	_ =	shalt  }
0x6c: {  	_ =	shalt  }
0x6d: {  	_ =	shalt  }
0x6e: {  	_ =	shalt  }
0x6f: {  	_ =	shalt  }
0x70: {  	_ =	shalt  }
0x71: {  	_ =	shalt  }
0x72: {  	_ =	shalt  }
0x73: {  	_ =	shalt  }
0x74: {  	_ =	shalt  }
0x75: {  	_ =	shalt  }
0x76: {  	_ =	shalt  }
0x77: {  	_ =	shalt  }
0x78: {  	_ =	shalt  }
0x79: {  	_ =	shalt  }
0x7a: {  	_ =	shalt  }
0x7b: {  	_ =	shalt  }
0x7c: {  	_ =	shalt  }
0x7d: {  	_ =	shalt  }
0x7e: {  	_ =	shalt  }
0x7f: {  	_ =	shalt  }
0x80: {  	_ =	shalt  }
0x81: {  	_ =	shalt  }
0x82: {  	_ =	shalt  }
0x83: {  	_ =	shalt  }
0x84: {  	_ =	shalt  }
0x85: {  	_ =	shalt  }
0x86: {  	_ =	shalt  }
0x87: {  	_ =	shalt  }
.Lfunc_end0:
.L_simem_size_0:
called_computation_lowered:
.L_overlay_start_0:
0x88: {  	s2 =	sld [smem:$0x3FD9]  }
0x89: {  	s3 =	sld [smem:$0x3FFE];
	_ =	sdelay $0x1  }
0x8a: {  	s1 =	srdreg.scid  }
0x8b: {  	s0 =	sand.u32 $0x1, s1  }
0x8c: {  	s16 =	sshll.u32 s0, $0xA;
	s2 =	sadd.s32 s3, s2  }
0x8d: {  	s2 =	sadd.s32 s2, s16  }
0x8e: {  	[smem:$0x3FC0] =	sst s2  }
0x8f: {  	_ = 	snop  }
0x90: {  	(tm) =	ssettm $0x1  }
0x91: {  	s17 =	sld [smem:$0x3FFB];
	_ =	sdelay $0x3  }
0x92: {  	_ =	strace s17  }
0x93: {  	s2 =	sld [smem:$0x3FFC];
	_ =	sdelay $0x3  }
0x94: {  	_ =	strace s2  }
0x95: {  	s2 =	sld [smem:$0x3FFD];
	_ =	sdelay $0x3  }
0x96: {  	_ =	strace s2  }
0x97: {  	_ =	strace $0x8FFFFFFF  }
0x98: {  	s18 =	sld [smem:$0x3FDB];
	_ =	sdelay $0x1  }
0x99: {  	s19 =	simm.s32 $_scs_section_size  }
0x9a: {  	s4 =	simm.s32 $_size__tile_overlayer_lowered;
	s5 =	simm.s32 $_tile_overlayer_lowered  }
0x9b: {  	s22 =	simm.s32 $0x1BFF;
	s21 =	sshll.u32 s5, $0x1;
	s2 =	sadd.s32 s19, s18  }
0x9c: {  	s6 =	simm.s32 $0x0;
	s20 =	sshll.u32 s4, $0x1;
	s4 =	sadd.s32 s21, s2  }
0x9d: {  	[timem:s6], [sflag:s22] =	dma.local [hbm:s4], s20  }
0x9e: {  	_ =	swait.ge [sflag:s22], s20  }
0x9f: {  	s3 =	ssub.s32 $0x0, s20;
	[sflag:s22] =	ssyncset.done $0x0  }
0xa0: {  	[sflag:s22] =	ssyncadd.s32 s3;
	_ =	sdelay $0x1  }
0xa1: {  	s23 =	simm.s32 $0x1B8B  }
0xa2: {  	_ =	swait.ge [sflag:s23], $0x1  }
0xa3: {  	[sflag:s23] =	ssyncset.done $0x0  }
0xa4: {  	s25 =	simm.s32 $0x1B8E;
	s24 =	sld [smem:$0x3FFE];
	[sflag:s23] =	ssyncadd.s32 $0xFFFFFFFF  }
0xa5: {  	s26 =	simm.s32 $execute0_lowered;
	[smem:$0x3FD2] =	sst s25  }
0xa6: {  	s4 =	sshll.u32 s26, $0x1;
	_ =	strace $0x80000046;
	[dreg:$0x1] =	wrdreg $0xFFFFFFFF  }
0xa7: {  	s28 =	simm.s32 $_size_execute0_lowered;
	s2 =	sadd.s32 s2, s4;
	[dreg:$0x0] =	wrdreg $0x0  }
0xa8: {  	s4 =	sshll.u32 s28, $0x1;
	[dreg:$0x2] =	wrdreg s2  }
0xa9: {  	[dreg:$0x3] =	wrdreg s4  }
0xaa: {  	[dreg:$0x4] =	wrdreg $0xC0  }
0xab: {  	_ =	task [dreg:s6], $0x5FFFF  }
0xac: {  	[dreg:$0x1] =	wrdreg $0xFFFFFFFF  }
0xad: {  	[dreg:$0x0] =	wrdreg $0x60  }
0xae: {  	[dreg:$0x2] =	wrdreg s24  }
0xaf: {  	[dreg:$0x3] =	wrdreg $0x54000  }
0xb0: {  	[dreg:$0x4] =	wrdreg $0x9  }
0xb1: {  	_ =	task.clear_ibuf [dreg:s6], $0x5FFFF;
	_ =	strace $0x90000046  }
0xb2: {  	s29 =	simm.s32 $0x9;
	_ =	strace $0x80000048  }
0xb3: {  	_ =	swait.ge [sflag:s29], $0x1  }
0xb4: {  	[sflag:s29] =	ssyncadd.s32 $0xFFFFFFFF  }
0xb5: {  	_ =	strace $0x90000048  }
0xb6: {  	_ =	sfence  }
0xb7: {  	s30 =	sld [smem:$0x0];
	_ =	sdelay $0x2  }
0xb8: {  	s31 =	sshll.u32 s1, $0xD;
	s1 =	sshrl.u32 s1, $0x2  }
0xb9: {  	s3 =	sand.u32 $0x4000, s31;
	s1 =	sadd.s32 s1, s30  }
0xba: {  	s0 =	sor.u32 s3, s0;
	s1 =	sshll.u32 s1, $0x11  }
0xbb: {  	s0 =	sor.u32 s1, s0  }
0xbc: {  	s0 =	sadd.s32 $0x8F2B, s0  }
0xbd: {  	[sflag:s0] =	ssyncadd.remote.s32 $0x1  }
0xbe: {  	_ =	sfence.sel $0xFFFF  }
0xbf: {  	[dreg:$0x0] =	wrdreg $0xFFFFFFFF;
	(pc) =	sbr.abs _section_cstart, $3  }
0xc0: {  	[dreg:$0x1] =	wrdreg $0xFFFFFFFF  }
0xc1: {  	_ =	task.clear_ibuf [dreg:s6], $0x2FFFF;
	_ =	strace $0x9FFFFFFF  }
0xc2: {  	(tm) =	ssettm $0x7FFFFFFF  }
0xc3: {  	_ =	shalt  }
tec
execute0_lowered:
.L_overlay_start_1:
0x0: {  	(tag) =	ssettag $0x1  }
0x1: {  	s7 =	rddreg [dreg:$0x0]  }
0x2: {  	s0 =	srdreg.scid;
	s2 =	rddreg [dreg:$0x1]  }
0x3: {  	s3 =	simm.s32 $0x0;
	s13 =	simm.s32 $0x7D;
	s6 =	sand.u32 $0x1, s0  }
0x4: {  	s14 =	simm.s32 $0x0;
	s0 =	stileid.u32;
	s5 =	smul.u32 $0x13C000, s6  }
0x5: {  	[smem:$0x7FF] =	sst s3;
	s1 =	sshll.u32 s6, $0x4;
	s8 =	smul.u32 $0x13C00, s0  }
0x6: {  	s10 =	smul.u32 $0x4E200, s0;
	s6 =	ssub.s32 $0x2, s6;
	s11 =	sshll.u32 s0, $0x6  }
0x7: {  	s1 =	sor.u32 s0, s1;
	s31 =	sshrl.u32 s6, $0x1;
	s11 =	sor.u32 $0x1C01, s11  }
0x8: {  	s4 =	smul.u32 $0x280, s1;
	s1 =	rddreg [dreg:$0x2];
	_ =	strace $0x80000047  }
0x9: {  	s8 =	sadd.s32 s8, s5;
	s5 =	sadd.s32 $0x8400, s7;
	s10 =	sshrl.u32 s10, $0x2  }
0xa: {  	s8 =	sshrl.u32 s8, $0x3;
	s12 =	sadd.s32 s10, s2;
	s10 =	simm.s32 $0x4000  }
0xb: {  	s9 =	sadd.s32 s4, s7;
	s4 =	sadd.s32 $0xAC00, s7;
	s7 =	sadd.s32 s8, s7  }
0xc: {  	s8 =	ssub.s32 s6, s31;
	s12 =	sshrl.u32 s12, $0x3;
	s6 =	sadd.s32 $0x3400, s9  }
0xd: {  	s7 =	sadd.s32 $0xB400, s7;
	s8 =	smax.u32 s8, $0x1;
	s9 =	simm.s32 $0x1  }
.LBB2_1:
0xe: {  	[tilespmem:s3], [sflag:$0x1] =	stream.linear.gather [hbm4b:s4+s3], $0x3E80, $0x38;
	[tilespmem:$0x18C80] =	vst v63  }
0xf: {  	_ =	swait.ge [sflag:s9], $0x3E80  }
0x10: {  	[sflag:s9] =	ssyncset.done $0x0  }
0x11: {  	[sflag:s9] =	ssyncadd.s32 $0xFFFFC180  }
0x12: {  	[tilespmem:s10], [sflag:$0x1] =	stream.linear.gather [hbm4b:s6+s3], $0x1400, $0x38;
	[tilespmem:$0x18C80] =	vst v63  }
0x13: {  	_ =	swait.ge [sflag:s9], $0x1400  }
0x14: {  	[sflag:s9] =	ssyncset.done $0x0  }
0x15: {  	[sflag:s9] =	ssyncadd.s32 $0xFFFFEC00  }
0x16: {  	[spmem:s12], [sflag:s11] =	dma.local [hbm:s5], $0x2710  }
0x17: {  	_ =	swait.ge [sflag:s9], $0x2710  }
0x18: {  	[sflag:s9] =	ssyncset.done $0x0  }
0x19: {  	[sflag:s9] =	ssyncadd.s32 $0xFFFFD8F0  }
0x1a: {  	s15 =	simm.s32 $0x4000;
	[bflag:$0x0] =	sbarrier.arrive $0xFFFF  }
0x1b: {  	[spmem:s2] =	stream.indirect.scatter.add.f32 [tilespmem:s3], [sflag:$0x1], $0x80, s15, s13, $0xb8;
	[tilespmem:$0x18C80] =	vst v63  }
0x1c: {  	s15 =	simm.s32 $0x200;
	_ =	swait.ge [sflag:s9], $0x3E80  }
.LBB2_2:
0x1d: {  	s16 =	sshra.s32 s15, $0x2;
	[sflag:s9] =	ssyncset.done $0x0;
	p0 =	sne.s32 s15, $0x4E00  }
.Ltmp0:
0x1e: {  	s16 =	sadd.s32 $0x4000, s16;
	[sflag:s9] =	ssyncadd.s32 $0xFFFFC180;
	(pc) =	sbr.rel @p0 .LBB2_2-.Ltmp0, $3  }
0x1f: {  	[spmem:s2] =	stream.indirect.scatter.add.f32 [tilespmem:s3], [sflag:$0x1], $0x80, s16, s13, $0xb8;
	[tilespmem:$0x18C80] =	vst v63  }
0x20: {  	s15 =	sadd.s32 $0x200, s15;
	_ =	sdelay $0x1  }
0x21: {  	_ =	swait.ge [sflag:s9], $0x3E80  }
0x22: {  	[sflag:s9] =	ssyncset.done $0x0;
	s14 =	sadd.s32 $0x1, s14  }
0x23: {  	[sflag:s9] =	ssyncadd.s32 $0xFFFFC180;
	p0 =	sne.s32 s14, s8  }
.Ltmp1:
0x24: {  	[bflag:$0x0] =	sbarrier.arrive $0xFFFF;
	(pc) =	sbr.rel @p0 .LBB2_1-.Ltmp1, $4  }
0x25: {  	[hbm:s7], [sflag:s11] =	dma.local [spmem:s12], $0x2710  }
0x26: {  	_ =	swait.ge [sflag:s9], $0x2710  }
0x27: {  	[sflag:s9] =	ssyncset.done $0x0  }
0x28: {  	[sflag:s9] =	ssyncadd.s32 $0xFFFFD8F0  }
0x29: {  	_ =	sfence.sel $0x180000  }
0x2a: {  	[bflag:$0x0] =	sbarrier.arrive $0xFFFF  }
0x2b: {  	p0 =	sne.s32 s0, $0x0;
	_ =	strace $0x90000047  }
0x2c: {  	s0 =	sadd.s32 @!p0 $0x100000, s1;
	[bflag:$0x2] =	sbarrier.arrive $0xFFFF  }
0x2d: {  	[sflag:s0] =	ssyncadd.tile.s32 @!p0 $0x1;
	_ =	shalt  }
.Lfunc_end2:
_tile_overlayer_lowered:
.L_overlay_start_2:
0x2e: {  	(tag) =	ssettag $0x2  }
0x2f: {  	s0 =	rddreg [dreg:$0x0];
	s2 =	stileid.u32  }
0x30: {  	s1 =	rddreg [dreg:$0x1];
	p0 =	sne.s32 s2, $0x0  }
0x31: {  	s3 =	rddreg [dreg:$0x2];
	[bflag:$0x3] =	sbarrier.arrive $0xFFFF;
	s2 =	simm.s32 @!p0 $0x1C01  }
0x32: {  	[timem:s3], [sflag:s2] =	dma.local @!p0 [hbm:s0], s1  }
0x33: {  	s0 =	simm.s32 @!p0 $0x1  }
0x34: {  	_ =	swait.ge @!p0 [sflag:s0], s1  }
0x35: {  	s1 =	ssub.s32 @!p0 $0x0, s1;
	[sflag:s0] =	ssyncset.done @!p0 $0x0  }
0x36: {  	[sflag:s0] =	ssyncadd.s32 @!p0 s1  }
0x37: {  	[bflag:$0x3] =	sbarrier.arrive $0xFFFF  }
0x38: {  	_ =	shalt  }

</sc_bundles>
